<compile_context>
chip_gen: v7x
topology: tpu7x:2x2x1
jax: 0.10.2.dev20260603
libtpu: 0.0.44.dev20260713+nightly
codegen_flags: <defaults>
</compile_context>

<pallas_src>
import functools

import jax
import jax.numpy as jnp
from jax import lax
from jax.experimental import pallas as pl
from jax.experimental.pallas import tpu as pltpu
from jax.experimental.pallas import tpu_sc as plsc

VOCAB = 100000
DIM = 128
BATCH = 4096
HIST = 50

_info = plsc.get_sparse_core_info()
_NC, _NS = _info.num_cores, _info.num_subcores
NW = _NC * _NS
TOTAL = BATCH * HIST
PER_W = TOTAL // NW
CHUNK = 64
NCHUNK = PER_W // CHUNK
NBUF = 10
NGROUP = NCHUNK // NBUF


def _emb_body(table, idx, out, idx_v, *rest):
    bufs = rest[:NBUF]
    gsems = rest[NBUF:2 * NBUF]
    osems = rest[2 * NBUF:3 * NBUF]
    wid = lax.axis_index("s") * _NC + lax.axis_index("c")
    base = wid * PER_W
    pltpu.sync_copy(idx.at[pl.ds(base, PER_W)], idx_v)

    def gather(c, b):
        pltpu.async_copy(table.at[idx_v.at[pl.ds(c * CHUNK, CHUNK)]],
                         bufs[b], gsems[b])

    for b in range(NBUF):
        gather(b, b)

    def group(g, carry):
        for b in range(NBUF):
            c = g * NBUF + b
            pltpu.make_async_copy(table.at[idx_v.at[pl.ds(0, CHUNK)]],
                                  bufs[b], gsems[b]).wait()
            pltpu.async_copy(bufs[b], out.at[pl.ds(base + c * CHUNK, CHUNK)],
                             osems[b])

        @pl.when(g < NGROUP - 1)
        def _():
            for b in range(NBUF):
                pltpu.make_async_copy(bufs[b], out.at[pl.ds(0, CHUNK)],
                                      osems[b]).wait()
                gather((g + 1) * NBUF + b, b)
        return carry

    lax.fori_loop(0, NGROUP, group, 0)
    for b in range(NBUF):
        pltpu.make_async_copy(bufs[b], out.at[pl.ds(0, CHUNK)], osems[b]).wait()


_emb_call = functools.partial(
    pl.kernel,
    out_type=jax.ShapeDtypeStruct((TOTAL, DIM), jnp.float32),
    mesh=plsc.VectorSubcoreMesh(core_axis_name="c", subcore_axis_name="s"),
    scratch_types=(
        [pltpu.VMEM((PER_W,), jnp.int32)]
        + [pltpu.VMEM((CHUNK, DIM), jnp.float32) for _ in range(NBUF)]
        + [pltpu.SemaphoreType.DMA for _ in range(2 * NBUF)]
    ),
)(_emb_body)


def kernel(inputs, embeddings):
    idx = inputs.astype(jnp.int32).T.reshape(TOTAL)
    out = _emb_call(embeddings, idx)
    return out.reshape(HIST, BATCH, DIM).transpose(1, 0, 2)

# --- scband reference (transcript-rebuilt; emitter-appended) ---
"""Pipeline reference for scband-embedding-9672266351113 (READ-ONLY COPY).

The authoritative reference and input builder live on the scoring server;
editing this copy changes nothing except your own understanding.
"""

import jax, jax.numpy as jnp
import numpy as np

INPUT_DIM = 100000
OUTPUT_DIM = 128
BATCH = 4096
HIST = 50

def setup_inputs(seed: int = 0) -> dict:
    key = jax.random.key(seed)
    k_idx, k_emb = jax.random.split(key)
    inputs = jax.random.randint(k_idx, (BATCH, HIST), 0, INPUT_DIM, dtype=jnp.int64 if jax.config.jax_enable_x64 else jnp.int32)
    # Keras default 'uniform' initializer: U(-0.05, 0.05)
    embeddings = jax.random.uniform(k_emb, (INPUT_DIM, OUTPUT_DIM), dtype=jnp.float32, minval=-0.05, maxval=0.05)
    return {"inputs": inputs, "embeddings": embeddings}

def reference(inputs, embeddings):
    # Embedding.call: cast indices to int32 if needed, then ops.take(embeddings, inputs, axis=0)
    idx = inputs.astype(jnp.int32)
    outputs = jnp.take(embeddings, idx, axis=0)
    return outputs.astype(jnp.float32)

if __name__ == "__main__":
    import jax
    _d = setup_inputs()
    print(jax.jit(kernel)(*tuple(_d.values())))

</pallas_src>

<mosaic_0001>
#map = affine_map<(d0, d1) -> (0, 0)>
#map1 = affine_map<(d0, d1) -> (0)>
module attributes {stable_mosaic.version = 14 : i64} {
  func.func @_emb_body(%arg0: i32, %arg1: i32, %arg2: memref<100000x128xf32, #tpu.memory_space<hbm>>, %arg3: memref<204800xi32, #tpu.memory_space<hbm>>, %arg4: memref<204800x128xf32, #tpu.memory_space<hbm>>, %arg5: memref<6400xi32, #tpu.memory_space<vmem>>, %arg6: memref<64x128xf32, #tpu.memory_space<vmem>>, %arg7: memref<64x128xf32, #tpu.memory_space<vmem>>, %arg8: memref<64x128xf32, #tpu.memory_space<vmem>>, %arg9: memref<64x128xf32, #tpu.memory_space<vmem>>, %arg10: memref<64x128xf32, #tpu.memory_space<vmem>>, %arg11: memref<64x128xf32, #tpu.memory_space<vmem>>, %arg12: memref<64x128xf32, #tpu.memory_space<vmem>>, %arg13: memref<64x128xf32, #tpu.memory_space<vmem>>, %arg14: memref<64x128xf32, #tpu.memory_space<vmem>>, %arg15: memref<64x128xf32, #tpu.memory_space<vmem>>, %arg16: memref<!tpu.dma_semaphore, #tpu.memory_space<semaphore_mem>>, %arg17: memref<!tpu.dma_semaphore, #tpu.memory_space<semaphore_mem>>, %arg18: memref<!tpu.dma_semaphore, #tpu.memory_space<semaphore_mem>>, %arg19: memref<!tpu.dma_semaphore, #tpu.memory_space<semaphore_mem>>, %arg20: memref<!tpu.dma_semaphore, #tpu.memory_space<semaphore_mem>>, %arg21: memref<!tpu.dma_semaphore, #tpu.memory_space<semaphore_mem>>, %arg22: memref<!tpu.dma_semaphore, #tpu.memory_space<semaphore_mem>>, %arg23: memref<!tpu.dma_semaphore, #tpu.memory_space<semaphore_mem>>, %arg24: memref<!tpu.dma_semaphore, #tpu.memory_space<semaphore_mem>>, %arg25: memref<!tpu.dma_semaphore, #tpu.memory_space<semaphore_mem>>, %arg26: memref<!tpu.dma_semaphore, #tpu.memory_space<semaphore_mem>>, %arg27: memref<!tpu.dma_semaphore, #tpu.memory_space<semaphore_mem>>, %arg28: memref<!tpu.dma_semaphore, #tpu.memory_space<semaphore_mem>>, %arg29: memref<!tpu.dma_semaphore, #tpu.memory_space<semaphore_mem>>, %arg30: memref<!tpu.dma_semaphore, #tpu.memory_space<semaphore_mem>>, %arg31: memref<!tpu.dma_semaphore, #tpu.memory_space<semaphore_mem>>, %arg32: memref<!tpu.dma_semaphore, #tpu.memory_space<semaphore_mem>>, %arg33: memref<!tpu.dma_semaphore, #tpu.memory_space<semaphore_mem>>, %arg34: memref<!tpu.dma_semaphore, #tpu.memory_space<semaphore_mem>>, %arg35: memref<!tpu.dma_semaphore, #tpu.memory_space<semaphore_mem>>) attributes {dimension_semantics = [#tpu.dimension_semantics<core_parallel>, #tpu.dimension_semantics<subcore_parallel>], iteration_bounds = array<i64: 2, 16>, scalar_prefetch = 0 : i64, scratch_operands = 31 : i64, tpu.core_type = #tpu.core_type<sc_vector_subcore>, window_params = [{transform_indices = #map}, {transform_indices = #map1}, {transform_indices = #map}]} {
    %mul3A = arith.constant 2 : i32
    %mul3A_0 = arith.muli %arg1, %mul3A : i32
    %add3A = arith.addi %mul3A_0, %arg0 : i32
    %mul3A_1 = arith.constant 6400 : i32
    %mul3A_2 = arith.muli %add3A, %mul3A_1 : i32
    "tpu.region"() ({
      %run_scoped3A = tpu.sem_alloc : memref<!tpu.dma_semaphore, #tpu.memory_space<semaphore_mem>>
      %dma_start3A_116 = tpu.memref_slice %arg3[%mul3A_2] : memref<204800xi32, #tpu.memory_space<hbm>> -> memref<6400xi32, #tpu.memory_space<hbm>>
      %dma_start3A_117 = tpu.memref_slice %arg3[%mul3A_2] : memref<204800xi32, #tpu.memory_space<hbm>> -> memref<6400xi32, #tpu.memory_space<hbm>>
      tpu.enqueue_dma source(%dma_start3A_117 : memref<6400xi32, #tpu.memory_space<hbm>>) target(%arg5 : memref<6400xi32, #tpu.memory_space<vmem>>) target_semaphore(%run_scoped3A : memref<!tpu.dma_semaphore, #tpu.memory_space<semaphore_mem>>)
      %dma_wait3A_118 = tpu.memref_slice %arg3[%mul3A_2] : memref<204800xi32, #tpu.memory_space<hbm>> -> memref<6400xi32, #tpu.memory_space<hbm>>
      %dma_wait3A_119 = tpu.memref_slice %arg3[%mul3A_2] : memref<204800xi32, #tpu.memory_space<hbm>> -> memref<6400xi32, #tpu.memory_space<hbm>>
      tpu.wait_dma2 semaphore(%run_scoped3A : memref<!tpu.dma_semaphore, #tpu.memory_space<semaphore_mem>>) src(%dma_wait3A_119 : memref<6400xi32, #tpu.memory_space<hbm>>) dst(%arg5 : memref<6400xi32, #tpu.memory_space<vmem>>)
      tpu.yield
    }) : () -> ()
    %dma_start3A = arith.constant 0 : i32
    %dma_start3A_3 = tpu.memref_slice %arg5[%dma_start3A] : memref<6400xi32, #tpu.memory_space<vmem>> -> memref<64xi32, #tpu.memory_space<vmem>>
    %dma_start3A_4 = arith.constant 0 : i32
    %dma_start3A_5 = arith.constant 0 : i32
    %dma_start3A_6 = tpu.memref_slice %arg2[%dma_start3A_4, %dma_start3A_5] : memref<100000x128xf32, #tpu.memory_space<hbm>> -> memref<100000x128xf32, #tpu.memory_space<hbm>>
    tpu.enqueue_indirect_dma source(%dma_start3A_6 : memref<100000x128xf32, #tpu.memory_space<hbm>>) target(%arg6 : memref<64x128xf32, #tpu.memory_space<vmem>>) offsets(%dma_start3A_3 : memref<64xi32, #tpu.memory_space<vmem>>) semaphore(%arg16 : memref<!tpu.dma_semaphore, #tpu.memory_space<semaphore_mem>>)
    %dma_start3A_7 = arith.constant 64 : i32
    %dma_start3A_8 = tpu.memref_slice %arg5[%dma_start3A_7] : memref<6400xi32, #tpu.memory_space<vmem>> -> memref<64xi32, #tpu.memory_space<vmem>>
    %dma_start3A_9 = arith.constant 0 : i32
    %dma_start3A_10 = arith.constant 0 : i32
    %dma_start3A_11 = tpu.memref_slice %arg2[%dma_start3A_9, %dma_start3A_10] : memref<100000x128xf32, #tpu.memory_space<hbm>> -> memref<100000x128xf32, #tpu.memory_space<hbm>>
    tpu.enqueue_indirect_dma source(%dma_start3A_11 : memref<100000x128xf32, #tpu.memory_space<hbm>>) target(%arg7 : memref<64x128xf32, #tpu.memory_space<vmem>>) offsets(%dma_start3A_8 : memref<64xi32, #tpu.memory_space<vmem>>) semaphore(%arg17 : memref<!tpu.dma_semaphore, #tpu.memory_space<semaphore_mem>>)
    %dma_start3A_12 = arith.constant 128 : i32
    %dma_start3A_13 = tpu.memref_slice %arg5[%dma_start3A_12] : memref<6400xi32, #tpu.memory_space<vmem>> -> memref<64xi32, #tpu.memory_space<vmem>>
    %dma_start3A_14 = arith.constant 0 : i32
    %dma_start3A_15 = arith.constant 0 : i32
    %dma_start3A_16 = tpu.memref_slice %arg2[%dma_start3A_14, %dma_start3A_15] : memref<100000x128xf32, #tpu.memory_space<hbm>> -> memref<100000x128xf32, #tpu.memory_space<hbm>>
    tpu.enqueue_indirect_dma source(%dma_start3A_16 : memref<100000x128xf32, #tpu.memory_space<hbm>>) target(%arg8 : memref<64x128xf32, #tpu.memory_space<vmem>>) offsets(%dma_start3A_13 : memref<64xi32, #tpu.memory_space<vmem>>) semaphore(%arg18 : memref<!tpu.dma_semaphore, #tpu.memory_space<semaphore_mem>>)
    %dma_start3A_17 = arith.constant 192 : i32
    %dma_start3A_18 = tpu.memref_slice %arg5[%dma_start3A_17] : memref<6400xi32, #tpu.memory_space<vmem>> -> memref<64xi32, #tpu.memory_space<vmem>>
    %dma_start3A_19 = arith.constant 0 : i32
    %dma_start3A_20 = arith.constant 0 : i32
    %dma_start3A_21 = tpu.memref_slice %arg2[%dma_start3A_19, %dma_start3A_20] : memref<100000x128xf32, #tpu.memory_space<hbm>> -> memref<100000x128xf32, #tpu.memory_space<hbm>>
    tpu.enqueue_indirect_dma source(%dma_start3A_21 : memref<100000x128xf32, #tpu.memory_space<hbm>>) target(%arg9 : memref<64x128xf32, #tpu.memory_space<vmem>>) offsets(%dma_start3A_18 : memref<64xi32, #tpu.memory_space<vmem>>) semaphore(%arg19 : memref<!tpu.dma_semaphore, #tpu.memory_space<semaphore_mem>>)
    %dma_start3A_22 = arith.constant 256 : i32
    %dma_start3A_23 = tpu.memref_slice %arg5[%dma_start3A_22] : memref<6400xi32, #tpu.memory_space<vmem>> -> memref<64xi32, #tpu.memory_space<vmem>>
    %dma_start3A_24 = arith.constant 0 : i32
    %dma_start3A_25 = arith.constant 0 : i32
    %dma_start3A_26 = tpu.memref_slice %arg2[%dma_start3A_24, %dma_start3A_25] : memref<100000x128xf32, #tpu.memory_space<hbm>> -> memref<100000x128xf32, #tpu.memory_space<hbm>>
    tpu.enqueue_indirect_dma source(%dma_start3A_26 : memref<100000x128xf32, #tpu.memory_space<hbm>>) target(%arg10 : memref<64x128xf32, #tpu.memory_space<vmem>>) offsets(%dma_start3A_23 : memref<64xi32, #tpu.memory_space<vmem>>) semaphore(%arg20 : memref<!tpu.dma_semaphore, #tpu.memory_space<semaphore_mem>>)
    %dma_start3A_27 = arith.constant 320 : i32
    %dma_start3A_28 = tpu.memref_slice %arg5[%dma_start3A_27] : memref<6400xi32, #tpu.memory_space<vmem>> -> memref<64xi32, #tpu.memory_space<vmem>>
    %dma_start3A_29 = arith.constant 0 : i32
    %dma_start3A_30 = arith.constant 0 : i32
    %dma_start3A_31 = tpu.memref_slice %arg2[%dma_start3A_29, %dma_start3A_30] : memref<100000x128xf32, #tpu.memory_space<hbm>> -> memref<100000x128xf32, #tpu.memory_space<hbm>>
    tpu.enqueue_indirect_dma source(%dma_start3A_31 : memref<100000x128xf32, #tpu.memory_space<hbm>>) target(%arg11 : memref<64x128xf32, #tpu.memory_space<vmem>>) offsets(%dma_start3A_28 : memref<64xi32, #tpu.memory_space<vmem>>) semaphore(%arg21 : memref<!tpu.dma_semaphore, #tpu.memory_space<semaphore_mem>>)
    %dma_start3A_32 = arith.constant 384 : i32
    %dma_start3A_33 = tpu.memref_slice %arg5[%dma_start3A_32] : memref<6400xi32, #tpu.memory_space<vmem>> -> memref<64xi32, #tpu.memory_space<vmem>>
    %dma_start3A_34 = arith.constant 0 : i32
    %dma_start3A_35 = arith.constant 0 : i32
    %dma_start3A_36 = tpu.memref_slice %arg2[%dma_start3A_34, %dma_start3A_35] : memref<100000x128xf32, #tpu.memory_space<hbm>> -> memref<100000x128xf32, #tpu.memory_space<hbm>>
    tpu.enqueue_indirect_dma source(%dma_start3A_36 : memref<100000x128xf32, #tpu.memory_space<hbm>>) target(%arg12 : memref<64x128xf32, #tpu.memory_space<vmem>>) offsets(%dma_start3A_33 : memref<64xi32, #tpu.memory_space<vmem>>) semaphore(%arg22 : memref<!tpu.dma_semaphore, #tpu.memory_space<semaphore_mem>>)
    %dma_start3A_37 = arith.constant 448 : i32
    %dma_start3A_38 = tpu.memref_slice %arg5[%dma_start3A_37] : memref<6400xi32, #tpu.memory_space<vmem>> -> memref<64xi32, #tpu.memory_space<vmem>>
    %dma_start3A_39 = arith.constant 0 : i32
    %dma_start3A_40 = arith.constant 0 : i32
    %dma_start3A_41 = tpu.memref_slice %arg2[%dma_start3A_39, %dma_start3A_40] : memref<100000x128xf32, #tpu.memory_space<hbm>> -> memref<100000x128xf32, #tpu.memory_space<hbm>>
    tpu.enqueue_indirect_dma source(%dma_start3A_41 : memref<100000x128xf32, #tpu.memory_space<hbm>>) target(%arg13 : memref<64x128xf32, #tpu.memory_space<vmem>>) offsets(%dma_start3A_38 : memref<64xi32, #tpu.memory_space<vmem>>) semaphore(%arg23 : memref<!tpu.dma_semaphore, #tpu.memory_space<semaphore_mem>>)
    %dma_start3A_42 = arith.constant 512 : i32
    %dma_start3A_43 = tpu.memref_slice %arg5[%dma_start3A_42] : memref<6400xi32, #tpu.memory_space<vmem>> -> memref<64xi32, #tpu.memory_space<vmem>>
    %dma_start3A_44 = arith.constant 0 : i32
    %dma_start3A_45 = arith.constant 0 : i32
    %dma_start3A_46 = tpu.memref_slice %arg2[%dma_start3A_44, %dma_start3A_45] : memref<100000x128xf32, #tpu.memory_space<hbm>> -> memref<100000x128xf32, #tpu.memory_space<hbm>>
    tpu.enqueue_indirect_dma source(%dma_start3A_46 : memref<100000x128xf32, #tpu.memory_space<hbm>>) target(%arg14 : memref<64x128xf32, #tpu.memory_space<vmem>>) offsets(%dma_start3A_43 : memref<64xi32, #tpu.memory_space<vmem>>) semaphore(%arg24 : memref<!tpu.dma_semaphore, #tpu.memory_space<semaphore_mem>>)
    %dma_start3A_47 = arith.constant 576 : i32
    %dma_start3A_48 = tpu.memref_slice %arg5[%dma_start3A_47] : memref<6400xi32, #tpu.memory_space<vmem>> -> memref<64xi32, #tpu.memory_space<vmem>>
    %dma_start3A_49 = arith.constant 0 : i32
    %dma_start3A_50 = arith.constant 0 : i32
    %dma_start3A_51 = tpu.memref_slice %arg2[%dma_start3A_49, %dma_start3A_50] : memref<100000x128xf32, #tpu.memory_space<hbm>> -> memref<100000x128xf32, #tpu.memory_space<hbm>>
    tpu.enqueue_indirect_dma source(%dma_start3A_51 : memref<100000x128xf32, #tpu.memory_space<hbm>>) target(%arg15 : memref<64x128xf32, #tpu.memory_space<vmem>>) offsets(%dma_start3A_48 : memref<64xi32, #tpu.memory_space<vmem>>) semaphore(%arg25 : memref<!tpu.dma_semaphore, #tpu.memory_space<semaphore_mem>>)
    %scan3A = arith.constant 0 : i32
    %scan3A_52 = arith.constant 0 : i32
    %scan3A_53 = arith.constant 10 : i32
    %scan3A_54 = arith.addi %scan3A_52, %scan3A_53 : i32
    %scan3A_55 = arith.constant 1 : i32
    scf.for %scan3A_116 = %scan3A_52 to %scan3A_54 step %scan3A_55  : i32 {
      %mul3A_117 = arith.constant 10 : i32
      %mul3A_118 = arith.muli %scan3A_116, %mul3A_117 : i32
      %add3A_119 = arith.constant 0 : i32
      %add3A_120 = arith.addi %mul3A_118, %add3A_119 : i32
      %dma_wait3A_121 = arith.constant 0 : i32
      %dma_wait3A_122 = tpu.memref_slice %arg5[%dma_wait3A_121] : memref<6400xi32, #tpu.memory_space<vmem>> -> memref<64xi32, #tpu.memory_space<vmem>>
      %dma_wait3A_123 = arith.constant 0 : i32
      %dma_wait3A_124 = arith.constant 0 : i32
      %dma_wait3A_125 = tpu.memref_slice %arg2[%dma_wait3A_123, %dma_wait3A_124] : memref<100000x128xf32, #tpu.memory_space<hbm>> -> memref<100000x128xf32, #tpu.memory_space<hbm>>
      tpu.wait_indirect_dma semaphore(%arg16 : memref<!tpu.dma_semaphore, #tpu.memory_space<semaphore_mem>>) src(%dma_wait3A_125 : memref<100000x128xf32, #tpu.memory_space<hbm>>) dst(%arg6 : memref<64x128xf32, #tpu.memory_space<vmem>>)
      %mul3A_126 = arith.constant 64 : i32
      %mul3A_127 = arith.muli %add3A_120, %mul3A_126 : i32
      %add3A_128 = arith.addi %mul3A_2, %mul3A_127 : i32
      %dma_start3A_129 = arith.constant 0 : i32
      %dma_start3A_130 = tpu.memref_slice %arg4[%add3A_128, %dma_start3A_129] : memref<204800x128xf32, #tpu.memory_space<hbm>> -> memref<64x128xf32, #tpu.memory_space<hbm>>
      %dma_start3A_131 = arith.constant 0 : i32
      %dma_start3A_132 = tpu.memref_slice %arg4[%add3A_128, %dma_start3A_131] : memref<204800x128xf32, #tpu.memory_space<hbm>> -> memref<64x128xf32, #tpu.memory_space<hbm>>
      tpu.enqueue_dma source(%arg6 : memref<64x128xf32, #tpu.memory_space<vmem>>) target(%dma_start3A_132 : memref<64x128xf32, #tpu.memory_space<hbm>>) target_semaphore(%arg26 : memref<!tpu.dma_semaphore, #tpu.memory_space<semaphore_mem>>)
      %mul3A_133 = arith.constant 10 : i32
      %mul3A_134 = arith.muli %scan3A_116, %mul3A_133 : i32
      %add3A_135 = arith.constant 1 : i32
      %add3A_136 = arith.addi %mul3A_134, %add3A_135 : i32
      %dma_wait3A_137 = arith.constant 0 : i32
      %dma_wait3A_138 = tpu.memref_slice %arg5[%dma_wait3A_137] : memref<6400xi32, #tpu.memory_space<vmem>> -> memref<64xi32, #tpu.memory_space<vmem>>
      %dma_wait3A_139 = arith.constant 0 : i32
      %dma_wait3A_140 = arith.constant 0 : i32
      %dma_wait3A_141 = tpu.memref_slice %arg2[%dma_wait3A_139, %dma_wait3A_140] : memref<100000x128xf32, #tpu.memory_space<hbm>> -> memref<100000x128xf32, #tpu.memory_space<hbm>>
      tpu.wait_indirect_dma semaphore(%arg17 : memref<!tpu.dma_semaphore, #tpu.memory_space<semaphore_mem>>) src(%dma_wait3A_141 : memref<100000x128xf32, #tpu.memory_space<hbm>>) dst(%arg7 : memref<64x128xf32, #tpu.memory_space<vmem>>)
      %mul3A_142 = arith.constant 64 : i32
      %mul3A_143 = arith.muli %add3A_136, %mul3A_142 : i32
      %add3A_144 = arith.addi %mul3A_2, %mul3A_143 : i32
      %dma_start3A_145 = arith.constant 0 : i32
      %dma_start3A_146 = tpu.memref_slice %arg4[%add3A_144, %dma_start3A_145] : memref<204800x128xf32, #tpu.memory_space<hbm>> -> memref<64x128xf32, #tpu.memory_space<hbm>>
      %dma_start3A_147 = arith.constant 0 : i32
      %dma_start3A_148 = tpu.memref_slice %arg4[%add3A_144, %dma_start3A_147] : memref<204800x128xf32, #tpu.memory_space<hbm>> -> memref<64x128xf32, #tpu.memory_space<hbm>>
      tpu.enqueue_dma source(%arg7 : memref<64x128xf32, #tpu.memory_space<vmem>>) target(%dma_start3A_148 : memref<64x128xf32, #tpu.memory_space<hbm>>) target_semaphore(%arg27 : memref<!tpu.dma_semaphore, #tpu.memory_space<semaphore_mem>>)
      %mul3A_149 = arith.constant 10 : i32
      %mul3A_150 = arith.muli %scan3A_116, %mul3A_149 : i32
      %add3A_151 = arith.constant 2 : i32
      %add3A_152 = arith.addi %mul3A_150, %add3A_151 : i32
      %dma_wait3A_153 = arith.constant 0 : i32
      %dma_wait3A_154 = tpu.memref_slice %arg5[%dma_wait3A_153] : memref<6400xi32, #tpu.memory_space<vmem>> -> memref<64xi32, #tpu.memory_space<vmem>>
      %dma_wait3A_155 = arith.constant 0 : i32
      %dma_wait3A_156 = arith.constant 0 : i32
      %dma_wait3A_157 = tpu.memref_slice %arg2[%dma_wait3A_155, %dma_wait3A_156] : memref<100000x128xf32, #tpu.memory_space<hbm>> -> memref<100000x128xf32, #tpu.memory_space<hbm>>
      tpu.wait_indirect_dma semaphore(%arg18 : memref<!tpu.dma_semaphore, #tpu.memory_space<semaphore_mem>>) src(%dma_wait3A_157 : memref<100000x128xf32, #tpu.memory_space<hbm>>) dst(%arg8 : memref<64x128xf32, #tpu.memory_space<vmem>>)
      %mul3A_158 = arith.constant 64 : i32
      %mul3A_159 = arith.muli %add3A_152, %mul3A_158 : i32
      %add3A_160 = arith.addi %mul3A_2, %mul3A_159 : i32
      %dma_start3A_161 = arith.constant 0 : i32
      %dma_start3A_162 = tpu.memref_slice %arg4[%add3A_160, %dma_start3A_161] : memref<204800x128xf32, #tpu.memory_space<hbm>> -> memref<64x128xf32, #tpu.memory_space<hbm>>
      %dma_start3A_163 = arith.constant 0 : i32
      %dma_start3A_164 = tpu.memref_slice %arg4[%add3A_160, %dma_start3A_163] : memref<204800x128xf32, #tpu.memory_space<hbm>> -> memref<64x128xf32, #tpu.memory_space<hbm>>
      tpu.enqueue_dma source(%arg8 : memref<64x128xf32, #tpu.memory_space<vmem>>) target(%dma_start3A_164 : memref<64x128xf32, #tpu.memory_space<hbm>>) target_semaphore(%arg28 : memref<!tpu.dma_semaphore, #tpu.memory_space<semaphore_mem>>)
      %mul3A_165 = arith.constant 10 : i32
      %mul3A_166 = arith.muli %scan3A_116, %mul3A_165 : i32
      %add3A_167 = arith.constant 3 : i32
      %add3A_168 = arith.addi %mul3A_166, %add3A_167 : i32
      %dma_wait3A_169 = arith.constant 0 : i32
      %dma_wait3A_170 = tpu.memref_slice %arg5[%dma_wait3A_169] : memref<6400xi32, #tpu.memory_space<vmem>> -> memref<64xi32, #tpu.memory_space<vmem>>
      %dma_wait3A_171 = arith.constant 0 : i32
      %dma_wait3A_172 = arith.constant 0 : i32
      %dma_wait3A_173 = tpu.memref_slice %arg2[%dma_wait3A_171, %dma_wait3A_172] : memref<100000x128xf32, #tpu.memory_space<hbm>> -> memref<100000x128xf32, #tpu.memory_space<hbm>>
      tpu.wait_indirect_dma semaphore(%arg19 : memref<!tpu.dma_semaphore, #tpu.memory_space<semaphore_mem>>) src(%dma_wait3A_173 : memref<100000x128xf32, #tpu.memory_space<hbm>>) dst(%arg9 : memref<64x128xf32, #tpu.memory_space<vmem>>)
      %mul3A_174 = arith.constant 64 : i32
      %mul3A_175 = arith.muli %add3A_168, %mul3A_174 : i32
      %add3A_176 = arith.addi %mul3A_2, %mul3A_175 : i32
      %dma_start3A_177 = arith.constant 0 : i32
      %dma_start3A_178 = tpu.memref_slice %arg4[%add3A_176, %dma_start3A_177] : memref<204800x128xf32, #tpu.memory_space<hbm>> -> memref<64x128xf32, #tpu.memory_space<hbm>>
      %dma_start3A_179 = arith.constant 0 : i32
      %dma_start3A_180 = tpu.memref_slice %arg4[%add3A_176, %dma_start3A_179] : memref<204800x128xf32, #tpu.memory_space<hbm>> -> memref<64x128xf32, #tpu.memory_space<hbm>>
      tpu.enqueue_dma source(%arg9 : memref<64x128xf32, #tpu.memory_space<vmem>>) target(%dma_start3A_180 : memref<64x128xf32, #tpu.memory_space<hbm>>) target_semaphore(%arg29 : memref<!tpu.dma_semaphore, #tpu.memory_space<semaphore_mem>>)
      %mul3A_181 = arith.constant 10 : i32
      %mul3A_182 = arith.muli %scan3A_116, %mul3A_181 : i32
      %add3A_183 = arith.constant 4 : i32
      %add3A_184 = arith.addi %mul3A_182, %add3A_183 : i32
      %dma_wait3A_185 = arith.constant 0 : i32
      %dma_wait3A_186 = tpu.memref_slice %arg5[%dma_wait3A_185] : memref<6400xi32, #tpu.memory_space<vmem>> -> memref<64xi32, #tpu.memory_space<vmem>>
      %dma_wait3A_187 = arith.constant 0 : i32
      %dma_wait3A_188 = arith.constant 0 : i32
      %dma_wait3A_189 = tpu.memref_slice %arg2[%dma_wait3A_187, %dma_wait3A_188] : memref<100000x128xf32, #tpu.memory_space<hbm>> -> memref<100000x128xf32, #tpu.memory_space<hbm>>
      tpu.wait_indirect_dma semaphore(%arg20 : memref<!tpu.dma_semaphore, #tpu.memory_space<semaphore_mem>>) src(%dma_wait3A_189 : memref<100000x128xf32, #tpu.memory_space<hbm>>) dst(%arg10 : memref<64x128xf32, #tpu.memory_space<vmem>>)
      %mul3A_190 = arith.constant 64 : i32
      %mul3A_191 = arith.muli %add3A_184, %mul3A_190 : i32
      %add3A_192 = arith.addi %mul3A_2, %mul3A_191 : i32
      %dma_start3A_193 = arith.constant 0 : i32
      %dma_start3A_194 = tpu.memref_slice %arg4[%add3A_192, %dma_start3A_193] : memref<204800x128xf32, #tpu.memory_space<hbm>> -> memref<64x128xf32, #tpu.memory_space<hbm>>
      %dma_start3A_195 = arith.constant 0 : i32
      %dma_start3A_196 = tpu.memref_slice %arg4[%add3A_192, %dma_start3A_195] : memref<204800x128xf32, #tpu.memory_space<hbm>> -> memref<64x128xf32, #tpu.memory_space<hbm>>
      tpu.enqueue_dma source(%arg10 : memref<64x128xf32, #tpu.memory_space<vmem>>) target(%dma_start3A_196 : memref<64x128xf32, #tpu.memory_space<hbm>>) target_semaphore(%arg30 : memref<!tpu.dma_semaphore, #tpu.memory_space<semaphore_mem>>)
      %mul3A_197 = arith.constant 10 : i32
      %mul3A_198 = arith.muli %scan3A_116, %mul3A_197 : i32
      %add3A_199 = arith.constant 5 : i32
      %add3A_200 = arith.addi %mul3A_198, %add3A_199 : i32
      %dma_wait3A_201 = arith.constant 0 : i32
      %dma_wait3A_202 = tpu.memref_slice %arg5[%dma_wait3A_201] : memref<6400xi32, #tpu.memory_space<vmem>> -> memref<64xi32, #tpu.memory_space<vmem>>
      %dma_wait3A_203 = arith.constant 0 : i32
      %dma_wait3A_204 = arith.constant 0 : i32
      %dma_wait3A_205 = tpu.memref_slice %arg2[%dma_wait3A_203, %dma_wait3A_204] : memref<100000x128xf32, #tpu.memory_space<hbm>> -> memref<100000x128xf32, #tpu.memory_space<hbm>>
      tpu.wait_indirect_dma semaphore(%arg21 : memref<!tpu.dma_semaphore, #tpu.memory_space<semaphore_mem>>) src(%dma_wait3A_205 : memref<100000x128xf32, #tpu.memory_space<hbm>>) dst(%arg11 : memref<64x128xf32, #tpu.memory_space<vmem>>)
      %mul3A_206 = arith.constant 64 : i32
      %mul3A_207 = arith.muli %add3A_200, %mul3A_206 : i32
      %add3A_208 = arith.addi %mul3A_2, %mul3A_207 : i32
      %dma_start3A_209 = arith.constant 0 : i32
      %dma_start3A_210 = tpu.memref_slice %arg4[%add3A_208, %dma_start3A_209] : memref<204800x128xf32, #tpu.memory_space<hbm>> -> memref<64x128xf32, #tpu.memory_space<hbm>>
      %dma_start3A_211 = arith.constant 0 : i32
      %dma_start3A_212 = tpu.memref_slice %arg4[%add3A_208, %dma_start3A_211] : memref<204800x128xf32, #tpu.memory_space<hbm>> -> memref<64x128xf32, #tpu.memory_space<hbm>>
      tpu.enqueue_dma source(%arg11 : memref<64x128xf32, #tpu.memory_space<vmem>>) target(%dma_start3A_212 : memref<64x128xf32, #tpu.memory_space<hbm>>) target_semaphore(%arg31 : memref<!tpu.dma_semaphore, #tpu.memory_space<semaphore_mem>>)
      %mul3A_213 = arith.constant 10 : i32
      %mul3A_214 = arith.muli %scan3A_116, %mul3A_213 : i32
      %add3A_215 = arith.constant 6 : i32
      %add3A_216 = arith.addi %mul3A_214, %add3A_215 : i32
      %dma_wait3A_217 = arith.constant 0 : i32
      %dma_wait3A_218 = tpu.memref_slice %arg5[%dma_wait3A_217] : memref<6400xi32, #tpu.memory_space<vmem>> -> memref<64xi32, #tpu.memory_space<vmem>>
      %dma_wait3A_219 = arith.constant 0 : i32
      %dma_wait3A_220 = arith.constant 0 : i32
      %dma_wait3A_221 = tpu.memref_slice %arg2[%dma_wait3A_219, %dma_wait3A_220] : memref<100000x128xf32, #tpu.memory_space<hbm>> -> memref<100000x128xf32, #tpu.memory_space<hbm>>
      tpu.wait_indirect_dma semaphore(%arg22 : memref<!tpu.dma_semaphore, #tpu.memory_space<semaphore_mem>>) src(%dma_wait3A_221 : memref<100000x128xf32, #tpu.memory_space<hbm>>) dst(%arg12 : memref<64x128xf32, #tpu.memory_space<vmem>>)
      %mul3A_222 = arith.constant 64 : i32
      %mul3A_223 = arith.muli %add3A_216, %mul3A_222 : i32
      %add3A_224 = arith.addi %mul3A_2, %mul3A_223 : i32
      %dma_start3A_225 = arith.constant 0 : i32
      %dma_start3A_226 = tpu.memref_slice %arg4[%add3A_224, %dma_start3A_225] : memref<204800x128xf32, #tpu.memory_space<hbm>> -> memref<64x128xf32, #tpu.memory_space<hbm>>
      %dma_start3A_227 = arith.constant 0 : i32
      %dma_start3A_228 = tpu.memref_slice %arg4[%add3A_224, %dma_start3A_227] : memref<204800x128xf32, #tpu.memory_space<hbm>> -> memref<64x128xf32, #tpu.memory_space<hbm>>
      tpu.enqueue_dma source(%arg12 : memref<64x128xf32, #tpu.memory_space<vmem>>) target(%dma_start3A_228 : memref<64x128xf32, #tpu.memory_space<hbm>>) target_semaphore(%arg32 : memref<!tpu.dma_semaphore, #tpu.memory_space<semaphore_mem>>)
      %mul3A_229 = arith.constant 10 : i32
      %mul3A_230 = arith.muli %scan3A_116, %mul3A_229 : i32
      %add3A_231 = arith.constant 7 : i32
      %add3A_232 = arith.addi %mul3A_230, %add3A_231 : i32
      %dma_wait3A_233 = arith.constant 0 : i32
      %dma_wait3A_234 = tpu.memref_slice %arg5[%dma_wait3A_233] : memref<6400xi32, #tpu.memory_space<vmem>> -> memref<64xi32, #tpu.memory_space<vmem>>
      %dma_wait3A_235 = arith.constant 0 : i32
      %dma_wait3A_236 = arith.constant 0 : i32
      %dma_wait3A_237 = tpu.memref_slice %arg2[%dma_wait3A_235, %dma_wait3A_236] : memref<100000x128xf32, #tpu.memory_space<hbm>> -> memref<100000x128xf32, #tpu.memory_space<hbm>>
      tpu.wait_indirect_dma semaphore(%arg23 : memref<!tpu.dma_semaphore, #tpu.memory_space<semaphore_mem>>) src(%dma_wait3A_237 : memref<100000x128xf32, #tpu.memory_space<hbm>>) dst(%arg13 : memref<64x128xf32, #tpu.memory_space<vmem>>)
      %mul3A_238 = arith.constant 64 : i32
      %mul3A_239 = arith.muli %add3A_232, %mul3A_238 : i32
      %add3A_240 = arith.addi %mul3A_2, %mul3A_239 : i32
      %dma_start3A_241 = arith.constant 0 : i32
      %dma_start3A_242 = tpu.memref_slice %arg4[%add3A_240, %dma_start3A_241] : memref<204800x128xf32, #tpu.memory_space<hbm>> -> memref<64x128xf32, #tpu.memory_space<hbm>>
      %dma_start3A_243 = arith.constant 0 : i32
      %dma_start3A_244 = tpu.memref_slice %arg4[%add3A_240, %dma_start3A_243] : memref<204800x128xf32, #tpu.memory_space<hbm>> -> memref<64x128xf32, #tpu.memory_space<hbm>>
      tpu.enqueue_dma source(%arg13 : memref<64x128xf32, #tpu.memory_space<vmem>>) target(%dma_start3A_244 : memref<64x128xf32, #tpu.memory_space<hbm>>) target_semaphore(%arg33 : memref<!tpu.dma_semaphore, #tpu.memory_space<semaphore_mem>>)
      %mul3A_245 = arith.constant 10 : i32
      %mul3A_246 = arith.muli %scan3A_116, %mul3A_245 : i32
      %add3A_247 = arith.constant 8 : i32
      %add3A_248 = arith.addi %mul3A_246, %add3A_247 : i32
      %dma_wait3A_249 = arith.constant 0 : i32
      %dma_wait3A_250 = tpu.memref_slice %arg5[%dma_wait3A_249] : memref<6400xi32, #tpu.memory_space<vmem>> -> memref<64xi32, #tpu.memory_space<vmem>>
      %dma_wait3A_251 = arith.constant 0 : i32
      %dma_wait3A_252 = arith.constant 0 : i32
      %dma_wait3A_253 = tpu.memref_slice %arg2[%dma_wait3A_251, %dma_wait3A_252] : memref<100000x128xf32, #tpu.memory_space<hbm>> -> memref<100000x128xf32, #tpu.memory_space<hbm>>
      tpu.wait_indirect_dma semaphore(%arg24 : memref<!tpu.dma_semaphore, #tpu.memory_space<semaphore_mem>>) src(%dma_wait3A_253 : memref<100000x128xf32, #tpu.memory_space<hbm>>) dst(%arg14 : memref<64x128xf32, #tpu.memory_space<vmem>>)
      %mul3A_254 = arith.constant 64 : i32
      %mul3A_255 = arith.muli %add3A_248, %mul3A_254 : i32
      %add3A_256 = arith.addi %mul3A_2, %mul3A_255 : i32
      %dma_start3A_257 = arith.constant 0 : i32
      %dma_start3A_258 = tpu.memref_slice %arg4[%add3A_256, %dma_start3A_257] : memref<204800x128xf32, #tpu.memory_space<hbm>> -> memref<64x128xf32, #tpu.memory_space<hbm>>
      %dma_start3A_259 = arith.constant 0 : i32
      %dma_start3A_260 = tpu.memref_slice %arg4[%add3A_256, %dma_start3A_259] : memref<204800x128xf32, #tpu.memory_space<hbm>> -> memref<64x128xf32, #tpu.memory_space<hbm>>
      tpu.enqueue_dma source(%arg14 : memref<64x128xf32, #tpu.memory_space<vmem>>) target(%dma_start3A_260 : memref<64x128xf32, #tpu.memory_space<hbm>>) target_semaphore(%arg34 : memref<!tpu.dma_semaphore, #tpu.memory_space<semaphore_mem>>)
      %mul3A_261 = arith.constant 10 : i32
      %mul3A_262 = arith.muli %scan3A_116, %mul3A_261 : i32
      %add3A_263 = arith.constant 9 : i32
      %add3A_264 = arith.addi %mul3A_262, %add3A_263 : i32
      %dma_wait3A_265 = arith.constant 0 : i32
      %dma_wait3A_266 = tpu.memref_slice %arg5[%dma_wait3A_265] : memref<6400xi32, #tpu.memory_space<vmem>> -> memref<64xi32, #tpu.memory_space<vmem>>
      %dma_wait3A_267 = arith.constant 0 : i32
      %dma_wait3A_268 = arith.constant 0 : i32
      %dma_wait3A_269 = tpu.memref_slice %arg2[%dma_wait3A_267, %dma_wait3A_268] : memref<100000x128xf32, #tpu.memory_space<hbm>> -> memref<100000x128xf32, #tpu.memory_space<hbm>>
      tpu.wait_indirect_dma semaphore(%arg25 : memref<!tpu.dma_semaphore, #tpu.memory_space<semaphore_mem>>) src(%dma_wait3A_269 : memref<100000x128xf32, #tpu.memory_space<hbm>>) dst(%arg15 : memref<64x128xf32, #tpu.memory_space<vmem>>)
      %mul3A_270 = arith.constant 64 : i32
      %mul3A_271 = arith.muli %add3A_264, %mul3A_270 : i32
      %add3A_272 = arith.addi %mul3A_2, %mul3A_271 : i32
      %dma_start3A_273 = arith.constant 0 : i32
      %dma_start3A_274 = tpu.memref_slice %arg4[%add3A_272, %dma_start3A_273] : memref<204800x128xf32, #tpu.memory_space<hbm>> -> memref<64x128xf32, #tpu.memory_space<hbm>>
      %dma_start3A_275 = arith.constant 0 : i32
      %dma_start3A_276 = tpu.memref_slice %arg4[%add3A_272, %dma_start3A_275] : memref<204800x128xf32, #tpu.memory_space<hbm>> -> memref<64x128xf32, #tpu.memory_space<hbm>>
      tpu.enqueue_dma source(%arg15 : memref<64x128xf32, #tpu.memory_space<vmem>>) target(%dma_start3A_276 : memref<64x128xf32, #tpu.memory_space<hbm>>) target_semaphore(%arg35 : memref<!tpu.dma_semaphore, #tpu.memory_space<semaphore_mem>>)
      %lt3A = arith.constant 9 : i32
      %lt3A_277 = arith.cmpi slt, %scan3A_116, %lt3A : i32
      %convert_element_type3A = arith.extui %lt3A_277 : i1 to i32
      %cond3A = arith.constant 0 : i32
      %cond3A_278 = arith.cmpi ne, %convert_element_type3A, %cond3A : i32
      scf.if %cond3A_278 {
        %dma_wait3A_279 = arith.constant 0 : i32
        %dma_wait3A_280 = arith.constant 0 : i32
        %dma_wait3A_281 = tpu.memref_slice %arg4[%dma_wait3A_279, %dma_wait3A_280] : memref<204800x128xf32, #tpu.memory_space<hbm>> -> memref<64x128xf32, #tpu.memory_space<hbm>>
        %dma_wait3A_282 = arith.constant 0 : i32
        %dma_wait3A_283 = arith.constant 0 : i32
        %dma_wait3A_284 = tpu.memref_slice %arg4[%dma_wait3A_282, %dma_wait3A_283] : memref<204800x128xf32, #tpu.memory_space<hbm>> -> memref<64x128xf32, #tpu.memory_space<hbm>>
        tpu.wait_dma2 semaphore(%arg26 : memref<!tpu.dma_semaphore, #tpu.memory_space<semaphore_mem>>) src(%arg6 : memref<64x128xf32, #tpu.memory_space<vmem>>) dst(%dma_wait3A_284 : memref<64x128xf32, #tpu.memory_space<hbm>>)
        %add3A_285 = arith.constant 1 : i32
        %add3A_286 = arith.addi %scan3A_116, %add3A_285 : i32
        %mul3A_287 = arith.constant 10 : i32
        %mul3A_288 = arith.muli %add3A_286, %mul3A_287 : i32
        %add3A_289 = arith.constant 0 : i32
        %add3A_290 = arith.addi %mul3A_288, %add3A_289 : i32
        %mul3A_291 = arith.constant 64 : i32
        %mul3A_292 = arith.muli %add3A_290, %mul3A_291 : i32
        %dma_start3A_293 = tpu.memref_slice %arg5[%mul3A_292] : memref<6400xi32, #tpu.memory_space<vmem>> -> memref<64xi32, #tpu.memory_space<vmem>>
        %dma_start3A_294 = arith.constant 0 : i32
        %dma_start3A_295 = arith.constant 0 : i32
        %dma_start3A_296 = tpu.memref_slice %arg2[%dma_start3A_294, %dma_start3A_295] : memref<100000x128xf32, #tpu.memory_space<hbm>> -> memref<100000x128xf32, #tpu.memory_space<hbm>>
        tpu.enqueue_indirect_dma source(%dma_start3A_296 : memref<100000x128xf32, #tpu.memory_space<hbm>>) target(%arg6 : memref<64x128xf32, #tpu.memory_space<vmem>>) offsets(%dma_start3A_293 : memref<64xi32, #tpu.memory_space<vmem>>) semaphore(%arg16 : memref<!tpu.dma_semaphore, #tpu.memory_space<semaphore_mem>>)
        %dma_wait3A_297 = arith.constant 0 : i32
        %dma_wait3A_298 = arith.constant 0 : i32
        %dma_wait3A_299 = tpu.memref_slice %arg4[%dma_wait3A_297, %dma_wait3A_298] : memref<204800x128xf32, #tpu.memory_space<hbm>> -> memref<64x128xf32, #tpu.memory_space<hbm>>
        %dma_wait3A_300 = arith.constant 0 : i32
        %dma_wait3A_301 = arith.constant 0 : i32
        %dma_wait3A_302 = tpu.memref_slice %arg4[%dma_wait3A_300, %dma_wait3A_301] : memref<204800x128xf32, #tpu.memory_space<hbm>> -> memref<64x128xf32, #tpu.memory_space<hbm>>
        tpu.wait_dma2 semaphore(%arg27 : memref<!tpu.dma_semaphore, #tpu.memory_space<semaphore_mem>>) src(%arg7 : memref<64x128xf32, #tpu.memory_space<vmem>>) dst(%dma_wait3A_302 : memref<64x128xf32, #tpu.memory_space<hbm>>)
        %add3A_303 = arith.constant 1 : i32
        %add3A_304 = arith.addi %scan3A_116, %add3A_303 : i32
        %mul3A_305 = arith.constant 10 : i32
        %mul3A_306 = arith.muli %add3A_304, %mul3A_305 : i32
        %add3A_307 = arith.constant 1 : i32
        %add3A_308 = arith.addi %mul3A_306, %add3A_307 : i32
        %mul3A_309 = arith.constant 64 : i32
        %mul3A_310 = arith.muli %add3A_308, %mul3A_309 : i32
        %dma_start3A_311 = tpu.memref_slice %arg5[%mul3A_310] : memref<6400xi32, #tpu.memory_space<vmem>> -> memref<64xi32, #tpu.memory_space<vmem>>
        %dma_start3A_312 = arith.constant 0 : i32
        %dma_start3A_313 = arith.constant 0 : i32
        %dma_start3A_314 = tpu.memref_slice %arg2[%dma_start3A_312, %dma_start3A_313] : memref<100000x128xf32, #tpu.memory_space<hbm>> -> memref<100000x128xf32, #tpu.memory_space<hbm>>
        tpu.enqueue_indirect_dma source(%dma_start3A_314 : memref<100000x128xf32, #tpu.memory_space<hbm>>) target(%arg7 : memref<64x128xf32, #tpu.memory_space<vmem>>) offsets(%dma_start3A_311 : memref<64xi32, #tpu.memory_space<vmem>>) semaphore(%arg17 : memref<!tpu.dma_semaphore, #tpu.memory_space<semaphore_mem>>)
        %dma_wait3A_315 = arith.constant 0 : i32
        %dma_wait3A_316 = arith.constant 0 : i32
        %dma_wait3A_317 = tpu.memref_slice %arg4[%dma_wait3A_315, %dma_wait3A_316] : memref<204800x128xf32, #tpu.memory_space<hbm>> -> memref<64x128xf32, #tpu.memory_space<hbm>>
        %dma_wait3A_318 = arith.constant 0 : i32
        %dma_wait3A_319 = arith.constant 0 : i32
        %dma_wait3A_320 = tpu.memref_slice %arg4[%dma_wait3A_318, %dma_wait3A_319] : memref<204800x128xf32, #tpu.memory_space<hbm>> -> memref<64x128xf32, #tpu.memory_space<hbm>>
        tpu.wait_dma2 semaphore(%arg28 : memref<!tpu.dma_semaphore, #tpu.memory_space<semaphore_mem>>) src(%arg8 : memref<64x128xf32, #tpu.memory_space<vmem>>) dst(%dma_wait3A_320 : memref<64x128xf32, #tpu.memory_space<hbm>>)
        %add3A_321 = arith.constant 1 : i32
        %add3A_322 = arith.addi %scan3A_116, %add3A_321 : i32
        %mul3A_323 = arith.constant 10 : i32
        %mul3A_324 = arith.muli %add3A_322, %mul3A_323 : i32
        %add3A_325 = arith.constant 2 : i32
        %add3A_326 = arith.addi %mul3A_324, %add3A_325 : i32
        %mul3A_327 = arith.constant 64 : i32
        %mul3A_328 = arith.muli %add3A_326, %mul3A_327 : i32
        %dma_start3A_329 = tpu.memref_slice %arg5[%mul3A_328] : memref<6400xi32, #tpu.memory_space<vmem>> -> memref<64xi32, #tpu.memory_space<vmem>>
        %dma_start3A_330 = arith.constant 0 : i32
        %dma_start3A_331 = arith.constant 0 : i32
        %dma_start3A_332 = tpu.memref_slice %arg2[%dma_start3A_330, %dma_start3A_331] : memref<100000x128xf32, #tpu.memory_space<hbm>> -> memref<100000x128xf32, #tpu.memory_space<hbm>>
        tpu.enqueue_indirect_dma source(%dma_start3A_332 : memref<100000x128xf32, #tpu.memory_space<hbm>>) target(%arg8 : memref<64x128xf32, #tpu.memory_space<vmem>>) offsets(%dma_start3A_329 : memref<64xi32, #tpu.memory_space<vmem>>) semaphore(%arg18 : memref<!tpu.dma_semaphore, #tpu.memory_space<semaphore_mem>>)
        %dma_wait3A_333 = arith.constant 0 : i32
        %dma_wait3A_334 = arith.constant 0 : i32
        %dma_wait3A_335 = tpu.memref_slice %arg4[%dma_wait3A_333, %dma_wait3A_334] : memref<204800x128xf32, #tpu.memory_space<hbm>> -> memref<64x128xf32, #tpu.memory_space<hbm>>
        %dma_wait3A_336 = arith.constant 0 : i32
        %dma_wait3A_337 = arith.constant 0 : i32
        %dma_wait3A_338 = tpu.memref_slice %arg4[%dma_wait3A_336, %dma_wait3A_337] : memref<204800x128xf32, #tpu.memory_space<hbm>> -> memref<64x128xf32, #tpu.memory_space<hbm>>
        tpu.wait_dma2 semaphore(%arg29 : memref<!tpu.dma_semaphore, #tpu.memory_space<semaphore_mem>>) src(%arg9 : memref<64x128xf32, #tpu.memory_space<vmem>>) dst(%dma_wait3A_338 : memref<64x128xf32, #tpu.memory_space<hbm>>)
        %add3A_339 = arith.constant 1 : i32
        %add3A_340 = arith.addi %scan3A_116, %add3A_339 : i32
        %mul3A_341 = arith.constant 10 : i32
        %mul3A_342 = arith.muli %add3A_340, %mul3A_341 : i32
        %add3A_343 = arith.constant 3 : i32
        %add3A_344 = arith.addi %mul3A_342, %add3A_343 : i32
        %mul3A_345 = arith.constant 64 : i32
        %mul3A_346 = arith.muli %add3A_344, %mul3A_345 : i32
        %dma_start3A_347 = tpu.memref_slice %arg5[%mul3A_346] : memref<6400xi32, #tpu.memory_space<vmem>> -> memref<64xi32, #tpu.memory_space<vmem>>
        %dma_start3A_348 = arith.constant 0 : i32
        %dma_start3A_349 = arith.constant 0 : i32
        %dma_start3A_350 = tpu.memref_slice %arg2[%dma_start3A_348, %dma_start3A_349] : memref<100000x128xf32, #tpu.memory_space<hbm>> -> memref<100000x128xf32, #tpu.memory_space<hbm>>
        tpu.enqueue_indirect_dma source(%dma_start3A_350 : memref<100000x128xf32, #tpu.memory_space<hbm>>) target(%arg9 : memref<64x128xf32, #tpu.memory_space<vmem>>) offsets(%dma_start3A_347 : memref<64xi32, #tpu.memory_space<vmem>>) semaphore(%arg19 : memref<!tpu.dma_semaphore, #tpu.memory_space<semaphore_mem>>)
        %dma_wait3A_351 = arith.constant 0 : i32
        %dma_wait3A_352 = arith.constant 0 : i32
        %dma_wait3A_353 = tpu.memref_slice %arg4[%dma_wait3A_351, %dma_wait3A_352] : memref<204800x128xf32, #tpu.memory_space<hbm>> -> memref<64x128xf32, #tpu.memory_space<hbm>>
        %dma_wait3A_354 = arith.constant 0 : i32
        %dma_wait3A_355 = arith.constant 0 : i32
        %dma_wait3A_356 = tpu.memref_slice %arg4[%dma_wait3A_354, %dma_wait3A_355] : memref<204800x128xf32, #tpu.memory_space<hbm>> -> memref<64x128xf32, #tpu.memory_space<hbm>>
        tpu.wait_dma2 semaphore(%arg30 : memref<!tpu.dma_semaphore, #tpu.memory_space<semaphore_mem>>) src(%arg10 : memref<64x128xf32, #tpu.memory_space<vmem>>) dst(%dma_wait3A_356 : memref<64x128xf32, #tpu.memory_space<hbm>>)
        %add3A_357 = arith.constant 1 : i32
        %add3A_358 = arith.addi %scan3A_116, %add3A_357 : i32
        %mul3A_359 = arith.constant 10 : i32
        %mul3A_360 = arith.muli %add3A_358, %mul3A_359 : i32
        %add3A_361 = arith.constant 4 : i32
        %add3A_362 = arith.addi %mul3A_360, %add3A_361 : i32
        %mul3A_363 = arith.constant 64 : i32
        %mul3A_364 = arith.muli %add3A_362, %mul3A_363 : i32
        %dma_start3A_365 = tpu.memref_slice %arg5[%mul3A_364] : memref<6400xi32, #tpu.memory_space<vmem>> -> memref<64xi32, #tpu.memory_space<vmem>>
        %dma_start3A_366 = arith.constant 0 : i32
        %dma_start3A_367 = arith.constant 0 : i32
        %dma_start3A_368 = tpu.memref_slice %arg2[%dma_start3A_366, %dma_start3A_367] : memref<100000x128xf32, #tpu.memory_space<hbm>> -> memref<100000x128xf32, #tpu.memory_space<hbm>>
        tpu.enqueue_indirect_dma source(%dma_start3A_368 : memref<100000x128xf32, #tpu.memory_space<hbm>>) target(%arg10 : memref<64x128xf32, #tpu.memory_space<vmem>>) offsets(%dma_start3A_365 : memref<64xi32, #tpu.memory_space<vmem>>) semaphore(%arg20 : memref<!tpu.dma_semaphore, #tpu.memory_space<semaphore_mem>>)
        %dma_wait3A_369 = arith.constant 0 : i32
        %dma_wait3A_370 = arith.constant 0 : i32
        %dma_wait3A_371 = tpu.memref_slice %arg4[%dma_wait3A_369, %dma_wait3A_370] : memref<204800x128xf32, #tpu.memory_space<hbm>> -> memref<64x128xf32, #tpu.memory_space<hbm>>
        %dma_wait3A_372 = arith.constant 0 : i32
        %dma_wait3A_373 = arith.constant 0 : i32
        %dma_wait3A_374 = tpu.memref_slice %arg4[%dma_wait3A_372, %dma_wait3A_373] : memref<204800x128xf32, #tpu.memory_space<hbm>> -> memref<64x128xf32, #tpu.memory_space<hbm>>
        tpu.wait_dma2 semaphore(%arg31 : memref<!tpu.dma_semaphore, #tpu.memory_space<semaphore_mem>>) src(%arg11 : memref<64x128xf32, #tpu.memory_space<vmem>>) dst(%dma_wait3A_374 : memref<64x128xf32, #tpu.memory_space<hbm>>)
        %add3A_375 = arith.constant 1 : i32
        %add3A_376 = arith.addi %scan3A_116, %add3A_375 : i32
        %mul3A_377 = arith.constant 10 : i32
        %mul3A_378 = arith.muli %add3A_376, %mul3A_377 : i32
        %add3A_379 = arith.constant 5 : i32
        %add3A_380 = arith.addi %mul3A_378, %add3A_379 : i32
        %mul3A_381 = arith.constant 64 : i32
        %mul3A_382 = arith.muli %add3A_380, %mul3A_381 : i32
        %dma_start3A_383 = tpu.memref_slice %arg5[%mul3A_382] : memref<6400xi32, #tpu.memory_space<vmem>> -> memref<64xi32, #tpu.memory_space<vmem>>
        %dma_start3A_384 = arith.constant 0 : i32
        %dma_start3A_385 = arith.constant 0 : i32
        %dma_start3A_386 = tpu.memref_slice %arg2[%dma_start3A_384, %dma_start3A_385] : memref<100000x128xf32, #tpu.memory_space<hbm>> -> memref<100000x128xf32, #tpu.memory_space<hbm>>
        tpu.enqueue_indirect_dma source(%dma_start3A_386 : memref<100000x128xf32, #tpu.memory_space<hbm>>) target(%arg11 : memref<64x128xf32, #tpu.memory_space<vmem>>) offsets(%dma_start3A_383 : memref<64xi32, #tpu.memory_space<vmem>>) semaphore(%arg21 : memref<!tpu.dma_semaphore, #tpu.memory_space<semaphore_mem>>)
        %dma_wait3A_387 = arith.constant 0 : i32
        %dma_wait3A_388 = arith.constant 0 : i32
        %dma_wait3A_389 = tpu.memref_slice %arg4[%dma_wait3A_387, %dma_wait3A_388] : memref<204800x128xf32, #tpu.memory_space<hbm>> -> memref<64x128xf32, #tpu.memory_space<hbm>>
        %dma_wait3A_390 = arith.constant 0 : i32
        %dma_wait3A_391 = arith.constant 0 : i32
        %dma_wait3A_392 = tpu.memref_slice %arg4[%dma_wait3A_390, %dma_wait3A_391] : memref<204800x128xf32, #tpu.memory_space<hbm>> -> memref<64x128xf32, #tpu.memory_space<hbm>>
        tpu.wait_dma2 semaphore(%arg32 : memref<!tpu.dma_semaphore, #tpu.memory_space<semaphore_mem>>) src(%arg12 : memref<64x128xf32, #tpu.memory_space<vmem>>) dst(%dma_wait3A_392 : memref<64x128xf32, #tpu.memory_space<hbm>>)
        %add3A_393 = arith.constant 1 : i32
        %add3A_394 = arith.addi %scan3A_116, %add3A_393 : i32
        %mul3A_395 = arith.constant 10 : i32
        %mul3A_396 = arith.muli %add3A_394, %mul3A_395 : i32
        %add3A_397 = arith.constant 6 : i32
        %add3A_398 = arith.addi %mul3A_396, %add3A_397 : i32
        %mul3A_399 = arith.constant 64 : i32
        %mul3A_400 = arith.muli %add3A_398, %mul3A_399 : i32
        %dma_start3A_401 = tpu.memref_slice %arg5[%mul3A_400] : memref<6400xi32, #tpu.memory_space<vmem>> -> memref<64xi32, #tpu.memory_space<vmem>>
        %dma_start3A_402 = arith.constant 0 : i32
        %dma_start3A_403 = arith.constant 0 : i32
        %dma_start3A_404 = tpu.memref_slice %arg2[%dma_start3A_402, %dma_start3A_403] : memref<100000x128xf32, #tpu.memory_space<hbm>> -> memref<100000x128xf32, #tpu.memory_space<hbm>>
        tpu.enqueue_indirect_dma source(%dma_start3A_404 : memref<100000x128xf32, #tpu.memory_space<hbm>>) target(%arg12 : memref<64x128xf32, #tpu.memory_space<vmem>>) offsets(%dma_start3A_401 : memref<64xi32, #tpu.memory_space<vmem>>) semaphore(%arg22 : memref<!tpu.dma_semaphore, #tpu.memory_space<semaphore_mem>>)
        %dma_wait3A_405 = arith.constant 0 : i32
        %dma_wait3A_406 = arith.constant 0 : i32
        %dma_wait3A_407 = tpu.memref_slice %arg4[%dma_wait3A_405, %dma_wait3A_406] : memref<204800x128xf32, #tpu.memory_space<hbm>> -> memref<64x128xf32, #tpu.memory_space<hbm>>
        %dma_wait3A_408 = arith.constant 0 : i32
        %dma_wait3A_409 = arith.constant 0 : i32
        %dma_wait3A_410 = tpu.memref_slice %arg4[%dma_wait3A_408, %dma_wait3A_409] : memref<204800x128xf32, #tpu.memory_space<hbm>> -> memref<64x128xf32, #tpu.memory_space<hbm>>
        tpu.wait_dma2 semaphore(%arg33 : memref<!tpu.dma_semaphore, #tpu.memory_space<semaphore_mem>>) src(%arg13 : memref<64x128xf32, #tpu.memory_space<vmem>>) dst(%dma_wait3A_410 : memref<64x128xf32, #tpu.memory_space<hbm>>)
        %add3A_411 = arith.constant 1 : i32
        %add3A_412 = arith.addi %scan3A_116, %add3A_411 : i32
        %mul3A_413 = arith.constant 10 : i32
        %mul3A_414 = arith.muli %add3A_412, %mul3A_413 : i32
        %add3A_415 = arith.constant 7 : i32
        %add3A_416 = arith.addi %mul3A_414, %add3A_415 : i32
        %mul3A_417 = arith.constant 64 : i32
        %mul3A_418 = arith.muli %add3A_416, %mul3A_417 : i32
        %dma_start3A_419 = tpu.memref_slice %arg5[%mul3A_418] : memref<6400xi32, #tpu.memory_space<vmem>> -> memref<64xi32, #tpu.memory_space<vmem>>
        %dma_start3A_420 = arith.constant 0 : i32
        %dma_start3A_421 = arith.constant 0 : i32
        %dma_start3A_422 = tpu.memref_slice %arg2[%dma_start3A_420, %dma_start3A_421] : memref<100000x128xf32, #tpu.memory_space<hbm>> -> memref<100000x128xf32, #tpu.memory_space<hbm>>
        tpu.enqueue_indirect_dma source(%dma_start3A_422 : memref<100000x128xf32, #tpu.memory_space<hbm>>) target(%arg13 : memref<64x128xf32, #tpu.memory_space<vmem>>) offsets(%dma_start3A_419 : memref<64xi32, #tpu.memory_space<vmem>>) semaphore(%arg23 : memref<!tpu.dma_semaphore, #tpu.memory_space<semaphore_mem>>)
        %dma_wait3A_423 = arith.constant 0 : i32
        %dma_wait3A_424 = arith.constant 0 : i32
        %dma_wait3A_425 = tpu.memref_slice %arg4[%dma_wait3A_423, %dma_wait3A_424] : memref<204800x128xf32, #tpu.memory_space<hbm>> -> memref<64x128xf32, #tpu.memory_space<hbm>>
        %dma_wait3A_426 = arith.constant 0 : i32
        %dma_wait3A_427 = arith.constant 0 : i32
        %dma_wait3A_428 = tpu.memref_slice %arg4[%dma_wait3A_426, %dma_wait3A_427] : memref<204800x128xf32, #tpu.memory_space<hbm>> -> memref<64x128xf32, #tpu.memory_space<hbm>>
        tpu.wait_dma2 semaphore(%arg34 : memref<!tpu.dma_semaphore, #tpu.memory_space<semaphore_mem>>) src(%arg14 : memref<64x128xf32, #tpu.memory_space<vmem>>) dst(%dma_wait3A_428 : memref<64x128xf32, #tpu.memory_space<hbm>>)
        %add3A_429 = arith.constant 1 : i32
        %add3A_430 = arith.addi %scan3A_116, %add3A_429 : i32
        %mul3A_431 = arith.constant 10 : i32
        %mul3A_432 = arith.muli %add3A_430, %mul3A_431 : i32
        %add3A_433 = arith.constant 8 : i32
        %add3A_434 = arith.addi %mul3A_432, %add3A_433 : i32
        %mul3A_435 = arith.constant 64 : i32
        %mul3A_436 = arith.muli %add3A_434, %mul3A_435 : i32
        %dma_start3A_437 = tpu.memref_slice %arg5[%mul3A_436] : memref<6400xi32, #tpu.memory_space<vmem>> -> memref<64xi32, #tpu.memory_space<vmem>>
        %dma_start3A_438 = arith.constant 0 : i32
        %dma_start3A_439 = arith.constant 0 : i32
        %dma_start3A_440 = tpu.memref_slice %arg2[%dma_start3A_438, %dma_start3A_439] : memref<100000x128xf32, #tpu.memory_space<hbm>> -> memref<100000x128xf32, #tpu.memory_space<hbm>>
        tpu.enqueue_indirect_dma source(%dma_start3A_440 : memref<100000x128xf32, #tpu.memory_space<hbm>>) target(%arg14 : memref<64x128xf32, #tpu.memory_space<vmem>>) offsets(%dma_start3A_437 : memref<64xi32, #tpu.memory_space<vmem>>) semaphore(%arg24 : memref<!tpu.dma_semaphore, #tpu.memory_space<semaphore_mem>>)
        %dma_wait3A_441 = arith.constant 0 : i32
        %dma_wait3A_442 = arith.constant 0 : i32
        %dma_wait3A_443 = tpu.memref_slice %arg4[%dma_wait3A_441, %dma_wait3A_442] : memref<204800x128xf32, #tpu.memory_space<hbm>> -> memref<64x128xf32, #tpu.memory_space<hbm>>
        %dma_wait3A_444 = arith.constant 0 : i32
        %dma_wait3A_445 = arith.constant 0 : i32
        %dma_wait3A_446 = tpu.memref_slice %arg4[%dma_wait3A_444, %dma_wait3A_445] : memref<204800x128xf32, #tpu.memory_space<hbm>> -> memref<64x128xf32, #tpu.memory_space<hbm>>
        tpu.wait_dma2 semaphore(%arg35 : memref<!tpu.dma_semaphore, #tpu.memory_space<semaphore_mem>>) src(%arg15 : memref<64x128xf32, #tpu.memory_space<vmem>>) dst(%dma_wait3A_446 : memref<64x128xf32, #tpu.memory_space<hbm>>)
        %add3A_447 = arith.constant 1 : i32
        %add3A_448 = arith.addi %scan3A_116, %add3A_447 : i32
        %mul3A_449 = arith.constant 10 : i32
        %mul3A_450 = arith.muli %add3A_448, %mul3A_449 : i32
        %add3A_451 = arith.constant 9 : i32
        %add3A_452 = arith.addi %mul3A_450, %add3A_451 : i32
        %mul3A_453 = arith.constant 64 : i32
        %mul3A_454 = arith.muli %add3A_452, %mul3A_453 : i32
        %dma_start3A_455 = tpu.memref_slice %arg5[%mul3A_454] : memref<6400xi32, #tpu.memory_space<vmem>> -> memref<64xi32, #tpu.memory_space<vmem>>
        %dma_start3A_456 = arith.constant 0 : i32
        %dma_start3A_457 = arith.constant 0 : i32
        %dma_start3A_458 = tpu.memref_slice %arg2[%dma_start3A_456, %dma_start3A_457] : memref<100000x128xf32, #tpu.memory_space<hbm>> -> memref<100000x128xf32, #tpu.memory_space<hbm>>
        tpu.enqueue_indirect_dma source(%dma_start3A_458 : memref<100000x128xf32, #tpu.memory_space<hbm>>) target(%arg15 : memref<64x128xf32, #tpu.memory_space<vmem>>) offsets(%dma_start3A_455 : memref<64xi32, #tpu.memory_space<vmem>>) semaphore(%arg25 : memref<!tpu.dma_semaphore, #tpu.memory_space<semaphore_mem>>)
      } else {
      }
    }
    %scan3A_56 = arith.constant 10 : i32
    %dma_wait3A = arith.constant 0 : i32
    %dma_wait3A_57 = arith.constant 0 : i32
    %dma_wait3A_58 = tpu.memref_slice %arg4[%dma_wait3A, %dma_wait3A_57] : memref<204800x128xf32, #tpu.memory_space<hbm>> -> memref<64x128xf32, #tpu.memory_space<hbm>>
    %dma_wait3A_59 = arith.constant 0 : i32
    %dma_wait3A_60 = arith.constant 0 : i32
    %dma_wait3A_61 = tpu.memref_slice %arg4[%dma_wait3A_59, %dma_wait3A_60] : memref<204800x128xf32, #tpu.memory_space<hbm>> -> memref<64x128xf32, #tpu.memory_space<hbm>>
    tpu.wait_dma2 semaphore(%arg26 : memref<!tpu.dma_semaphore, #tpu.memory_space<semaphore_mem>>) src(%arg6 : memref<64x128xf32, #tpu.memory_space<vmem>>) dst(%dma_wait3A_61 : memref<64x128xf32, #tpu.memory_space<hbm>>)
    %dma_wait3A_62 = arith.constant 0 : i32
    %dma_wait3A_63 = arith.constant 0 : i32
    %dma_wait3A_64 = tpu.memref_slice %arg4[%dma_wait3A_62, %dma_wait3A_63] : memref<204800x128xf32, #tpu.memory_space<hbm>> -> memref<64x128xf32, #tpu.memory_space<hbm>>
    %dma_wait3A_65 = arith.constant 0 : i32
    %dma_wait3A_66 = arith.constant 0 : i32
    %dma_wait3A_67 = tpu.memref_slice %arg4[%dma_wait3A_65, %dma_wait3A_66] : memref<204800x128xf32, #tpu.memory_space<hbm>> -> memref<64x128xf32, #tpu.memory_space<hbm>>
    tpu.wait_dma2 semaphore(%arg27 : memref<!tpu.dma_semaphore, #tpu.memory_space<semaphore_mem>>) src(%arg7 : memref<64x128xf32, #tpu.memory_space<vmem>>) dst(%dma_wait3A_67 : memref<64x128xf32, #tpu.memory_space<hbm>>)
    %dma_wait3A_68 = arith.constant 0 : i32
    %dma_wait3A_69 = arith.constant 0 : i32
    %dma_wait3A_70 = tpu.memref_slice %arg4[%dma_wait3A_68, %dma_wait3A_69] : memref<204800x128xf32, #tpu.memory_space<hbm>> -> memref<64x128xf32, #tpu.memory_space<hbm>>
    %dma_wait3A_71 = arith.constant 0 : i32
    %dma_wait3A_72 = arith.constant 0 : i32
    %dma_wait3A_73 = tpu.memref_slice %arg4[%dma_wait3A_71, %dma_wait3A_72] : memref<204800x128xf32, #tpu.memory_space<hbm>> -> memref<64x128xf32, #tpu.memory_space<hbm>>
    tpu.wait_dma2 semaphore(%arg28 : memref<!tpu.dma_semaphore, #tpu.memory_space<semaphore_mem>>) src(%arg8 : memref<64x128xf32, #tpu.memory_space<vmem>>) dst(%dma_wait3A_73 : memref<64x128xf32, #tpu.memory_space<hbm>>)
    %dma_wait3A_74 = arith.constant 0 : i32
    %dma_wait3A_75 = arith.constant 0 : i32
    %dma_wait3A_76 = tpu.memref_slice %arg4[%dma_wait3A_74, %dma_wait3A_75] : memref<204800x128xf32, #tpu.memory_space<hbm>> -> memref<64x128xf32, #tpu.memory_space<hbm>>
    %dma_wait3A_77 = arith.constant 0 : i32
    %dma_wait3A_78 = arith.constant 0 : i32
    %dma_wait3A_79 = tpu.memref_slice %arg4[%dma_wait3A_77, %dma_wait3A_78] : memref<204800x128xf32, #tpu.memory_space<hbm>> -> memref<64x128xf32, #tpu.memory_space<hbm>>
    tpu.wait_dma2 semaphore(%arg29 : memref<!tpu.dma_semaphore, #tpu.memory_space<semaphore_mem>>) src(%arg9 : memref<64x128xf32, #tpu.memory_space<vmem>>) dst(%dma_wait3A_79 : memref<64x128xf32, #tpu.memory_space<hbm>>)
    %dma_wait3A_80 = arith.constant 0 : i32
    %dma_wait3A_81 = arith.constant 0 : i32
    %dma_wait3A_82 = tpu.memref_slice %arg4[%dma_wait3A_80, %dma_wait3A_81] : memref<204800x128xf32, #tpu.memory_space<hbm>> -> memref<64x128xf32, #tpu.memory_space<hbm>>
    %dma_wait3A_83 = arith.constant 0 : i32
    %dma_wait3A_84 = arith.constant 0 : i32
    %dma_wait3A_85 = tpu.memref_slice %arg4[%dma_wait3A_83, %dma_wait3A_84] : memref<204800x128xf32, #tpu.memory_space<hbm>> -> memref<64x128xf32, #tpu.memory_space<hbm>>
    tpu.wait_dma2 semaphore(%arg30 : memref<!tpu.dma_semaphore, #tpu.memory_space<semaphore_mem>>) src(%arg10 : memref<64x128xf32, #tpu.memory_space<vmem>>) dst(%dma_wait3A_85 : memref<64x128xf32, #tpu.memory_space<hbm>>)
    %dma_wait3A_86 = arith.constant 0 : i32
    %dma_wait3A_87 = arith.constant 0 : i32
    %dma_wait3A_88 = tpu.memref_slice %arg4[%dma_wait3A_86, %dma_wait3A_87] : memref<204800x128xf32, #tpu.memory_space<hbm>> -> memref<64x128xf32, #tpu.memory_space<hbm>>
    %dma_wait3A_89 = arith.constant 0 : i32
    %dma_wait3A_90 = arith.constant 0 : i32
    %dma_wait3A_91 = tpu.memref_slice %arg4[%dma_wait3A_89, %dma_wait3A_90] : memref<204800x128xf32, #tpu.memory_space<hbm>> -> memref<64x128xf32, #tpu.memory_space<hbm>>
    tpu.wait_dma2 semaphore(%arg31 : memref<!tpu.dma_semaphore, #tpu.memory_space<semaphore_mem>>) src(%arg11 : memref<64x128xf32, #tpu.memory_space<vmem>>) dst(%dma_wait3A_91 : memref<64x128xf32, #tpu.memory_space<hbm>>)
    %dma_wait3A_92 = arith.constant 0 : i32
    %dma_wait3A_93 = arith.constant 0 : i32
    %dma_wait3A_94 = tpu.memref_slice %arg4[%dma_wait3A_92, %dma_wait3A_93] : memref<204800x128xf32, #tpu.memory_space<hbm>> -> memref<64x128xf32, #tpu.memory_space<hbm>>
    %dma_wait3A_95 = arith.constant 0 : i32
    %dma_wait3A_96 = arith.constant 0 : i32
    %dma_wait3A_97 = tpu.memref_slice %arg4[%dma_wait3A_95, %dma_wait3A_96] : memref<204800x128xf32, #tpu.memory_space<hbm>> -> memref<64x128xf32, #tpu.memory_space<hbm>>
    tpu.wait_dma2 semaphore(%arg32 : memref<!tpu.dma_semaphore, #tpu.memory_space<semaphore_mem>>) src(%arg12 : memref<64x128xf32, #tpu.memory_space<vmem>>) dst(%dma_wait3A_97 : memref<64x128xf32, #tpu.memory_space<hbm>>)
    %dma_wait3A_98 = arith.constant 0 : i32
    %dma_wait3A_99 = arith.constant 0 : i32
    %dma_wait3A_100 = tpu.memref_slice %arg4[%dma_wait3A_98, %dma_wait3A_99] : memref<204800x128xf32, #tpu.memory_space<hbm>> -> memref<64x128xf32, #tpu.memory_space<hbm>>
    %dma_wait3A_101 = arith.constant 0 : i32
    %dma_wait3A_102 = arith.constant 0 : i32
    %dma_wait3A_103 = tpu.memref_slice %arg4[%dma_wait3A_101, %dma_wait3A_102] : memref<204800x128xf32, #tpu.memory_space<hbm>> -> memref<64x128xf32, #tpu.memory_space<hbm>>
    tpu.wait_dma2 semaphore(%arg33 : memref<!tpu.dma_semaphore, #tpu.memory_space<semaphore_mem>>) src(%arg13 : memref<64x128xf32, #tpu.memory_space<vmem>>) dst(%dma_wait3A_103 : memref<64x128xf32, #tpu.memory_space<hbm>>)
    %dma_wait3A_104 = arith.constant 0 : i32
    %dma_wait3A_105 = arith.constant 0 : i32
    %dma_wait3A_106 = tpu.memref_slice %arg4[%dma_wait3A_104, %dma_wait3A_105] : memref<204800x128xf32, #tpu.memory_space<hbm>> -> memref<64x128xf32, #tpu.memory_space<hbm>>
    %dma_wait3A_107 = arith.constant 0 : i32
    %dma_wait3A_108 = arith.constant 0 : i32
    %dma_wait3A_109 = tpu.memref_slice %arg4[%dma_wait3A_107, %dma_wait3A_108] : memref<204800x128xf32, #tpu.memory_space<hbm>> -> memref<64x128xf32, #tpu.memory_space<hbm>>
    tpu.wait_dma2 semaphore(%arg34 : memref<!tpu.dma_semaphore, #tpu.memory_space<semaphore_mem>>) src(%arg14 : memref<64x128xf32, #tpu.memory_space<vmem>>) dst(%dma_wait3A_109 : memref<64x128xf32, #tpu.memory_space<hbm>>)
    %dma_wait3A_110 = arith.constant 0 : i32
    %dma_wait3A_111 = arith.constant 0 : i32
    %dma_wait3A_112 = tpu.memref_slice %arg4[%dma_wait3A_110, %dma_wait3A_111] : memref<204800x128xf32, #tpu.memory_space<hbm>> -> memref<64x128xf32, #tpu.memory_space<hbm>>
    %dma_wait3A_113 = arith.constant 0 : i32
    %dma_wait3A_114 = arith.constant 0 : i32
    %dma_wait3A_115 = tpu.memref_slice %arg4[%dma_wait3A_113, %dma_wait3A_114] : memref<204800x128xf32, #tpu.memory_space<hbm>> -> memref<64x128xf32, #tpu.memory_space<hbm>>
    tpu.wait_dma2 semaphore(%arg35 : memref<!tpu.dma_semaphore, #tpu.memory_space<semaphore_mem>>) src(%arg15 : memref<64x128xf32, #tpu.memory_space<vmem>>) dst(%dma_wait3A_115 : memref<64x128xf32, #tpu.memory_space<hbm>>)
    return
  }
}

</mosaic_0001>

<sc_bundles>
// kernel: kernel.3.cloned.1.call-start
scs
__scs_entry_jumppad:
0x0: {  	(pc) =	sbr.rel $0x88, $3  }
0x1: {  	(tag) =	ssettag $0x0;
	lr =	simm.s32 $0x1  }
0x2: {  	[smem:$0x3F9F] =	sst lr;
	_ =	strace $0xD0000000  }
0x3: {  	_ = 	snop  }
0x4: {  	_ = 	snop  }
0x5: {  	_ = 	snop  }
0x6: {  	_ = 	snop  }
0x7: {  	_ = 	snop  }
__scs_overlays_trampoline_lowered:
0x8: {  	[smem:$0x3FAE] =	sst s0  }
0x9: {  	[smem:$0x3FAF] =	sst s1  }
0xa: {  	[smem:$0x3FB0] =	sst s2  }
0xb: {  	[smem:$0x3FB1] =	sst s3  }
0xc: {  	[smem:$0x3FB2] =	sst s4  }
0xd: {  	[smem:$0x3FB3] =	sst s5  }
0xe: {  	[smem:$0x3FB4] =	sst s6  }
0xf: {  	[smem:$0x3FB5] =	sst s7  }
0x10: {  	[smem:$0x3FB6] =	sst s8  }
0x11: {  	[smem:$0x3FB7] =	sst s9;
	s0 =	simm.s32 @!p0 $0x0  }
0x12: {  	s1 =	sld [smem:$0x3F9D];
	s0 =	simm.s32 @p0 $0x1  }
0x13: {  	[smem:$0x3FB8] =	sst s0;
	s0 =	simm.s32 @!p1 $0x0  }
0x14: {  	s2 =	sld [smem:$0x3F9C];
	s0 =	simm.s32 @p1 $0x1  }
0x15: {  	[smem:$0x3FB9] =	sst s0;
	s0 =	simm.s32 @!p2 $0x0  }
0x16: {  	s3 =	sld [smem:$0x3FDB];
	s0 =	simm.s32 @p2 $0x1  }
0x17: {  	s4 =	simm.s32 $0x1BF5;
	[smem:$0x3FBB] =	sst s0  }
0x18: {  	s0 =	sld [smem:$0x3F9E];
	_ =	swait.ge [sflag:s4], $0x0  }
0x19: {  	s7 =	sld [smem:$0x3F9F]  }
0x1a: {  	s8 =	sadd.s32 $0xFFFFE003, lr  }
0x1b: {  	s9 =	sadd.s32 $0xFFFFFEF7, lr;
	s5 =	simm.s32 $0xFFFFFFFF;
	p2 =	slt.u32 s8, $0xFFFFF086  }
0x1c: {  	p1 =	slt.u32 s9, $0xF7A;
	s5 =	simm.s32 @!p2 $0x0  }
0x1d: {  	s5 =	simm.s32 @p1 $0x1;
	p0 =	seq.s32 s7, s2  }
0x1e: {  	s7 =	smul.u32 @!p0 $0xF7A, s2;
	p2 =	seq.s32 @!p0 s5, $0x0  }
0x1f: {  	s9 =	smul.u32 $0xF7A, s1;
	s8 =	simm.s32 @!p0 $0x1BF5;
	p2 =	por !p2, p0  }
0x20: {  	[sflag:s8] =	ssyncset.s32 @!p0 $0xFFFFF086;
	s6 =	sadd.s32 @!p0 s3, s7;
	s7 =	simm.s32 @!p0 $0x108  }
0x21: {  	s3 =	sadd.s32 s3, s9;
	s6 =	sadd.s32 @!p0 $0x88, s6;
	s7 =	simm.s32 @p2 $0x1082  }
0x22: {  	[simem:s7], [sflag:s8] =	dma.local @!p0 [hbm:s6], $0xF7A  }
0x23: {  	s9 =	sor.u32 $0xD0000000, s2;
	s6 =	simm.s32 $0x108;
	_ =	swait.ge @!p0 [sflag:s8], $0x0  }
0x24: {  	s3 =	sadd.s32 $0x88, s3;
	s6 =	simm.s32 @!p1 $0x1082;
	[sflag:s4] =	ssyncset.s32 $0xFFFFF086  }
0x25: {  	[simem:s6], [sflag:s4] =	dma.local [hbm:s3], $0xF7A  }
0x26: {  	[smem:$0x3F9F] =	sst s1;
	(tag) =	ssettag s2;
	_ =	strace s9  }
0x27: {  	s1 =	sld [smem:$0x3FAF]  }
0x28: {  	s2 =	sld [smem:$0x3FB0]  }
0x29: {  	s4 =	sld [smem:$0x3FB2]  }
0x2a: {  	p0 =	seq.s32 s5, $0x0;
	s5 =	sld [smem:$0x3FB3]  }
0x2b: {  	s6 =	sld [smem:$0x3FB4]  }
0x2c: {  	s7 =	sld [smem:$0x3FB5]  }
0x2d: {  	s3 =	simm.s32 $0x108;
	s8 =	sld [smem:$0x3FB6]  }
0x2e: {  	s3 =	simm.s32 @!p0 $0x1082;
	s9 =	sld [smem:$0x3FB7]  }
0x2f: {  	lr =	sadd.s32 s0, s3;
	s0 =	sld [smem:$0x3FAE]  }
0x30: {  	s3 =	sld [smem:$0x3FB1]  }
0x31: {  	[smem:$0x3FBA] =	sst s10  }
0x32: {  	s10 =	sld [smem:$0x3FB8];
	_ =	sdelay $0x3  }
0x33: {  	p0 =	seq.s32 s10, $0x1;
	s10 =	sld [smem:$0x3FBA];
	_ =	sdelay $0x3  }
0x34: {  	[smem:$0x3FBA] =	sst s10  }
0x35: {  	s10 =	sld [smem:$0x3FB9];
	_ =	sdelay $0x3  }
0x36: {  	p1 =	seq.s32 s10, $0x1;
	s10 =	sld [smem:$0x3FBA];
	_ =	sdelay $0x3  }
0x37: {  	[smem:$0x3FBA] =	sst s10  }
0x38: {  	s10 =	sld [smem:$0x3FBB]  }
0x39: {  	_ = 	snop;
	(pc) =	sbr.ind lr, $3  }
0x3a: {  	_ = 	snop  }
0x3b: {  	_ = 	snop  }
0x3c: {  	p2 =	seq.s32 s10, $0x1;
	s10 =	sld [smem:$0x3FBA]  }
0x3d: {  	_ =	shalt  }
0x3e: {  	_ =	shalt  }
0x3f: {  	_ =	shalt  }
0x40: {  	_ =	shalt  }
0x41: {  	_ =	shalt  }
0x42: {  	_ =	shalt  }
0x43: {  	_ =	shalt  }
0x44: {  	_ =	shalt  }
0x45: {  	_ =	shalt  }
0x46: {  	_ =	shalt  }
0x47: {  	_ =	shalt  }
0x48: {  	_ =	shalt  }
0x49: {  	_ =	shalt  }
0x4a: {  	_ =	shalt  }
0x4b: {  	_ =	shalt  }
0x4c: {  	_ =	shalt  }
0x4d: {  	_ =	shalt  }
0x4e: {  	_ =	shalt  }
0x4f: {  	_ =	shalt  }
0x50: {  	_ =	shalt  }
0x51: {  	_ =	shalt  }
0x52: {  	_ =	shalt  }
0x53: {  	_ =	shalt  }
0x54: {  	_ =	shalt  }
0x55: {  	_ =	shalt  }
0x56: {  	_ =	shalt  }
0x57: {  	_ =	shalt  }
0x58: {  	_ =	shalt  }
0x59: {  	_ =	shalt  }
0x5a: {  	_ =	shalt  }
0x5b: {  	_ =	shalt  }
0x5c: {  	_ =	shalt  }
0x5d: {  	_ =	shalt  }
0x5e: {  	_ =	shalt  }
0x5f: {  	_ =	shalt  }
0x60: {  	_ =	shalt  }
0x61: {  	_ =	shalt  }
0x62: {  	_ =	shalt  }
0x63: {  	_ =	shalt  }
0x64: {  	_ =	shalt  }
0x65: {  	_ =	shalt  }
0x66: {  	_ =	shalt  }
0x67: {  	_ =	shalt  }
0x68: {  	_ =	shalt  }
0x69: {  	_ =	shalt  }
0x6a: {  	_ =	shalt  }
0x6b: {  	_ =	shalt  }
0x6c: {  	_ =	shalt  }
0x6d: {  	_ =	shalt  }
0x6e: {  	_ =	shalt  }
0x6f: {  	_ =	shalt  }
0x70: {  	_ =	shalt  }
0x71: {  	_ =	shalt  }
0x72: {  	_ =	shalt  }
0x73: {  	_ =	shalt  }
0x74: {  	_ =	shalt  }
0x75: {  	_ =	shalt  }
0x76: {  	_ =	shalt  }
0x77: {  	_ =	shalt  }
0x78: {  	_ =	shalt  }
0x79: {  	_ =	shalt  }
0x7a: {  	_ =	shalt  }
0x7b: {  	_ =	shalt  }
0x7c: {  	_ =	shalt  }
0x7d: {  	_ =	shalt  }
0x7e: {  	_ =	shalt  }
0x7f: {  	_ =	shalt  }
0x80: {  	_ =	shalt  }
0x81: {  	_ =	shalt  }
0x82: {  	_ =	shalt  }
0x83: {  	_ =	shalt  }
0x84: {  	_ =	shalt  }
0x85: {  	_ =	shalt  }
0x86: {  	_ =	shalt  }
0x87: {  	_ =	shalt  }
.Lfunc_end0:
.L_simem_size_0:
called_computation_lowered:
.L_overlay_start_0:
0x88: {  	s2 =	sld [smem:$0x3FD9]  }
0x89: {  	s3 =	sld [smem:$0x3FFE];
	_ =	sdelay $0x1  }
0x8a: {  	s1 =	srdreg.scid  }
0x8b: {  	s0 =	sand.u32 $0x1, s1  }
0x8c: {  	s17 =	sshll.u32 s0, $0xA;
	s2 =	sadd.s32 s3, s2  }
0x8d: {  	s2 =	sadd.s32 s2, s17  }
0x8e: {  	[smem:$0x3FC6] =	sst s2  }
0x8f: {  	_ = 	snop  }
0x90: {  	s2 =	sld [smem:$0x3FC8]  }
0x91: {  	s18 =	sld [smem:$0x3FD0];
	(tm) =	ssettm $0x1  }
0x92: {  	s4 =	sld [smem:$0x3FFB];
	_ =	sdelay $0x3  }
0x93: {  	_ =	strace s4  }
0x94: {  	s4 =	sld [smem:$0x3FFC];
	_ =	sdelay $0x3  }
0x95: {  	_ =	strace s4  }
0x96: {  	s4 =	sld [smem:$0x3FFD];
	_ =	sdelay $0x3  }
0x97: {  	_ =	strace s4  }
0x98: {  	_ =	strace $0x8FFFFFFF  }
0x99: {  	s19 =	sld [smem:$0x3FDB];
	_ =	sdelay $0x1  }
0x9a: {  	s5 =	simm.s32 $_scs_section_size  }
0x9b: {  	s6 =	simm.s32 $_size__tile_overlayer_lowered;
	s7 =	simm.s32 $_tile_overlayer_lowered  }
0x9c: {  	s22 =	simm.s32 $0x1BFF;
	s21 =	sshll.u32 s7, $0x1;
	s4 =	sadd.s32 s5, s19  }
0x9d: {  	s8 =	simm.s32 $0x0;
	s20 =	sshll.u32 s6, $0x1;
	s6 =	sadd.s32 s21, s4  }
0x9e: {  	[timem:s8], [sflag:s22] =	dma.local [hbm:s6], s20  }
0x9f: {  	_ =	swait.ge [sflag:s22], s20  }
0xa0: {  	s5 =	ssub.s32 $0x0, s20;
	[sflag:s22] =	ssyncset.done $0x0  }
0xa1: {  	[sflag:s22] =	ssyncadd.s32 s5;
	_ =	sdelay $0x1  }
0xa2: {  	s23 =	simm.s32 $0x1B8B  }
0xa3: {  	_ =	swait.ge [sflag:s23], $0x1  }
0xa4: {  	[sflag:s23] =	ssyncset.done $0x0  }
0xa5: {  	s25 =	simm.s32 $0x1B8E;
	s24 =	sld [smem:$0x3FFE];
	[sflag:s23] =	ssyncadd.s32 $0xFFFFFFFF  }
0xa6: {  	s26 =	simm.s32 $execute0_lowered;
	[smem:$0x3FD2] =	sst s25  }
0xa7: {  	s6 =	sshll.u32 s26, $0x1;
	_ =	strace $0x80000046;
	[dreg:$0x1] =	wrdreg $0xFFFFFFFF  }
0xa8: {  	s28 =	simm.s32 $_size_execute0_lowered;
	s4 =	sadd.s32 s4, s6;
	[dreg:$0x0] =	wrdreg $0x0  }
0xa9: {  	s6 =	sshll.u32 s28, $0x1;
	[dreg:$0x2] =	wrdreg s4  }
0xaa: {  	[dreg:$0x3] =	wrdreg s6  }
0xab: {  	[dreg:$0x4] =	wrdreg $0xC0  }
0xac: {  	_ =	task [dreg:s8], $0x5FFFF  }
0xad: {  	[dreg:$0x1] =	wrdreg $0xFFFFFFFF  }
0xae: {  	[dreg:$0x0] =	wrdreg $0x60  }
0xaf: {  	[dreg:$0x2] =	wrdreg s2  }
0xb0: {  	[dreg:$0x3] =	wrdreg s24  }
0xb1: {  	[dreg:$0x4] =	wrdreg s18  }
0xb2: {  	[dreg:$0x5] =	wrdreg $0x9  }
0xb3: {  	_ =	task.clear_ibuf [dreg:s8], $0x6FFFF;
	_ =	strace $0x90000046  }
0xb4: {  	s29 =	simm.s32 $0x9;
	_ =	strace $0x80000048  }
0xb5: {  	_ =	swait.ge [sflag:s29], $0x1  }
0xb6: {  	[sflag:s29] =	ssyncadd.s32 $0xFFFFFFFF  }
0xb7: {  	_ =	strace $0x90000048  }
0xb8: {  	_ =	sfence  }
0xb9: {  	s30 =	sld [smem:$0x0];
	_ =	sdelay $0x2  }
0xba: {  	s31 =	sshll.u32 s1, $0xD;
	s1 =	sshrl.u32 s1, $0x2  }
0xbb: {  	s3 =	sand.u32 $0x4000, s31;
	s1 =	sadd.s32 s1, s30  }
0xbc: {  	s0 =	sor.u32 s3, s0;
	s1 =	sshll.u32 s1, $0x11  }
0xbd: {  	s0 =	sor.u32 s1, s0  }
0xbe: {  	s0 =	sadd.s32 $0x8F2B, s0  }
0xbf: {  	[sflag:s0] =	ssyncadd.remote.s32 $0x1  }
0xc0: {  	_ =	sfence.sel $0xFFFF  }
0xc1: {  	[dreg:$0x0] =	wrdreg $0xFFFFFFFF;
	(pc) =	sbr.abs _section_cstart, $3  }
0xc2: {  	[dreg:$0x1] =	wrdreg $0xFFFFFFFF  }
0xc3: {  	_ =	task.clear_ibuf [dreg:s8], $0x2FFFF;
	_ =	strace $0x9FFFFFFF  }
0xc4: {  	(tm) =	ssettm $0x7FFFFFFF  }
0xc5: {  	_ =	shalt  }
tec
execute0_lowered:
.L_overlay_start_1:
0x0: {  	(tag) =	ssettag $0x1  }
0x1: {  	s1 =	rddreg [dreg:$0x0]  }
0x2: {  	s0 =	rddreg [dreg:$0x1]  }
0x3: {  	s2 =	srdreg.scid;
	s7 =	stileid.u32  }
0x4: {  	s4 =	rddreg [dreg:$0x2];
	s3 =	simm.s32 $0x0;
	s18 =	simm.s32 $0x1900  }
0x5: {  	s20 =	simm.s32 $0x3900;
	s14 =	simm.s32 $0x5900;
	s16 =	simm.s32 $0x7900  }
0x6: {  	s22 =	simm.s32 $0x9900;
	s28 =	simm.s32 $0xF900;
	s29 =	simm.s32 $0x11900  }
0x7: {  	s30 =	simm.s32 $0x3;
	s31 =	simm.s32 $0x4;
	s11 =	simm.s32 $0x7  }
0x8: {  	s13 =	simm.s32 $0x8;
	s15 =	simm.s32 $0x9;
	s17 =	simm.s32 $0xA  }
0x9: {  	s19 =	simm.s32 $0xB;
	s21 =	simm.s32 $0xC;
	s23 =	simm.s32 $0xD  }
0xa: {  	s9 =	simm.s32 $0x13;
	s10 =	simm.s32 $0x14;
	s12 =	simm.s32 $0x0  }
0xb: {  	s2 =	sand.u32 $0x1, s2;
	s5 =	sshll.u32 s7, $0x1;
	[smem:$0x7FF] =	sst s3  }
0xc: {  	s7 =	smul.u32 $0x32000, s7;
	s5 =	sor.u32 s2, s5;
	_ =	strace $0x80000047  }
0xd: {  	s6 =	ssub.s32 $0x2, s2;
	s2 =	smul.u32 $0x19000, s2;
	[dreg:$0x7] =	wrdreg s12  }
0xe: {  	s5 =	smul.u32 $0x1900, s5;
	s8 =	sshrl.u32 s6, $0x1;
	s4 =	sadd.s32 s7, s4  }
0xf: {  	s7 =	simm.s32 $0x12;
	s24 =	ssub.s32 s6, s8;
	s26 =	sadd.s32 s2, s4  }
0x10: {  	s8 =	simm.s32 $0x40;
	s2 =	simm.s32 $0x5;
	s4 =	simm.s32 $0xF  }
.Ltmp0:
0x11: {  	s6 =	simm.s32 $0x11;
	s5 =	sshrl.u32 s5, $0x3;
	(pc) =	sbr.rel .LBB2_1-.Ltmp0, $4  }
0x12: {  	s25 =	smax.u32 s24, $0x1;
	s24 =	simm.s32 $0xB900;
	s0 =	sadd.s32 s5, s0  }
0x13: {  	[dreg:$0x5] =	wrdreg s25;
	s25 =	simm.s32 $0xE;
	s0 =	sadd.s32 $0x400, s0  }
0x14: {  	s5 =	simm.s32 $0x10;
	[dreg:$0x4] =	wrdreg s0;
	s0 =	sadd.s32 $0x2400, s26  }
0x15: {  	s26 =	simm.s32 $0xD900;
	[dreg:$0x6] =	wrdreg s0;
	s0 =	simm.s32 $0x6  }
.LBB2_4:
0x16: {  	_ =	swait.ge [sflag:s21], $0x2000  }
0x17: {  	[sflag:s21] =	ssyncset.done $0x0  }
0x18: {  	[sflag:s21] =	ssyncadd.s32 $0xFFFFE000  }
0x19: {  	_ =	swait.ge [sflag:s23], $0x2000  }
0x1a: {  	[sflag:s23] =	ssyncset.done $0x0  }
0x1b: {  	[sflag:s23] =	ssyncadd.s32 $0xFFFFE000  }
0x1c: {  	_ =	swait.ge [sflag:s25], $0x2000  }
0x1d: {  	[sflag:s25] =	ssyncset.done $0x0  }
0x1e: {  	[sflag:s25] =	ssyncadd.s32 $0xFFFFE000  }
0x1f: {  	_ =	swait.ge [sflag:s4], $0x2000  }
0x20: {  	[sflag:s4] =	ssyncset.done $0x0  }
0x21: {  	[sflag:s4] =	ssyncadd.s32 $0xFFFFE000  }
0x22: {  	_ =	swait.ge [sflag:s5], $0x2000  }
0x23: {  	[sflag:s5] =	ssyncset.done $0x0  }
0x24: {  	[sflag:s5] =	ssyncadd.s32 $0xFFFFE000  }
0x25: {  	_ =	swait.ge [sflag:s6], $0x2000  }
0x26: {  	[sflag:s6] =	ssyncset.done $0x0  }
0x27: {  	[sflag:s6] =	ssyncadd.s32 $0xFFFFE000  }
0x28: {  	_ =	swait.ge [sflag:s7], $0x2000  }
0x29: {  	[sflag:s7] =	ssyncset.done $0x0  }
0x2a: {  	[sflag:s7] =	ssyncadd.s32 $0xFFFFE000  }
0x2b: {  	_ =	swait.ge [sflag:s9], $0x2000  }
0x2c: {  	[sflag:s9] =	ssyncset.done $0x0  }
0x2d: {  	[sflag:s9] =	ssyncadd.s32 $0xFFFFE000  }
0x2e: {  	_ =	swait.ge [sflag:s10], $0x2000  }
0x2f: {  	s14 =	rddreg [dreg:$0x7]  }
0x30: {  	s12 =	rddreg [dreg:$0x5];
	s14 =	sadd.s32 $0x1, s14  }
0x31: {  	p0 =	sne.s32 s14, s12  }
.Ltmp1:
0x32: {  	_ = 	snop;
	(pc) =	sbr.rel @!p0 .LBB2_5-.Ltmp1, $4  }
0x33: {  	s16 =	simm.s32 $0x7900  }
0x34: {  	s22 =	simm.s32 $0x9900;
	s24 =	simm.s32 $0xB900;
	s26 =	simm.s32 $0xD900  }
0x35: {  	s28 =	simm.s32 $0xF900;
	s29 =	simm.s32 $0x11900;
	[sflag:s10] =	ssyncset.done $0x0  }
0x36: {  	[sflag:s10] =	ssyncadd.s32 $0xFFFFE000;
	[dreg:$0x7] =	wrdreg s14;
	s14 =	simm.s32 $0x5900  }
.LBB2_1:
0x37: {  	s12 =	rddreg [dreg:$0x4]  }
0x38: {  	[tilespmem:s3], [sflag:$0x15] =	stream.linear.gather [hbm4b:s12+s3], $0x1900, $0x38;
	[tilespmem:$0x15900] =	vst v63  }
0x39: {  	s12 =	simm.s32 $0x15  }
0x3a: {  	_ =	swait.ge [sflag:s12], $0x1900  }
0x3b: {  	[sflag:s12] =	ssyncset.done $0x0  }
0x3c: {  	[sflag:s12] =	ssyncadd.s32 $0xFFFFE700  }
0x3d: {  	[tilespmem:s18], [sflag:$0x1] =	stream.indirect.gather [hbm4b:s1+s8], $0x80, s3, s8, $0xb8;
	[tilespmem:$0x15900] =	vst v63  }
0x3e: {  	_ = 	snop  }
0x3f: {  	[tilespmem:s20], [sflag:$0x2] =	stream.indirect.gather [hbm4b:s1+s8], $0x80, s8, s8, $0xb8;
	[tilespmem:$0x15900] =	vst v63  }
0x40: {  	s12 =	simm.s32 $0x80  }
0x41: {  	[tilespmem:s14], [sflag:$0x3] =	stream.indirect.gather [hbm4b:s1+s8], $0x80, s12, s8, $0xb8;
	[tilespmem:$0x15900] =	vst v63  }
0x42: {  	s14 =	simm.s32 $0xC0  }
0x43: {  	[tilespmem:s16], [sflag:$0x4] =	stream.indirect.gather [hbm4b:s1+s8], $0x80, s14, s8, $0xb8;
	[tilespmem:$0x15900] =	vst v63  }
0x44: {  	s16 =	simm.s32 $0x100  }
0x45: {  	[tilespmem:s22], [sflag:$0x5] =	stream.indirect.gather [hbm4b:s1+s8], $0x80, s16, s8, $0xb8;
	[tilespmem:$0x15900] =	vst v63  }
0x46: {  	s22 =	simm.s32 $0x140  }
0x47: {  	[tilespmem:s24], [sflag:$0x6] =	stream.indirect.gather [hbm4b:s1+s8], $0x80, s22, s8, $0xb8;
	[tilespmem:$0x15900] =	vst v63  }
0x48: {  	s14 =	simm.s32 $0x180  }
0x49: {  	[tilespmem:s26], [sflag:$0x7] =	stream.indirect.gather [hbm4b:s1+s8], $0x80, s14, s8, $0xb8;
	[tilespmem:$0x15900] =	vst v63  }
0x4a: {  	s16 =	simm.s32 $0x1C0  }
0x4b: {  	[tilespmem:s28], [sflag:$0x8] =	stream.indirect.gather [hbm4b:s1+s8], $0x80, s16, s8, $0xb8;
	[tilespmem:$0x15900] =	vst v63  }
0x4c: {  	s12 =	rddreg [dreg:$0x6];
	s22 =	simm.s32 $0x200;
	s24 =	simm.s32 $0x240  }
0x4d: {  	[tilespmem:s29], [sflag:$0x9] =	stream.indirect.gather [hbm4b:s1+s8], $0x80, s22, s8, $0xb8;
	[tilespmem:$0x15900] =	vst v63  }
0x4e: {  	s26 =	simm.s32 $0x13900;
	s14 =	simm.s32 $0x0;
	s28 =	simm.s32 $0xB900  }
0x4f: {  	[tilespmem:s26], [sflag:$0xA] =	stream.indirect.gather [hbm4b:s1+s8], $0x80, s24, s8, $0xb8;
	[tilespmem:$0x15900] =	vst v63  }
0x50: {  	s22 =	simm.s32 $0x11900;
	s29 =	simm.s32 $0xF900;
	s24 =	simm.s32 $0x7900  }
.LBB2_2:
0x51: {  	s16 =	simm.s32 $0x1  }
0x52: {  	_ =	swait.ge [sflag:s16], $0x2000  }
0x53: {  	[sflag:s16] =	ssyncset.done $0x0  }
0x54: {  	s26 =	sadd.s32 $0xFFFFDC00, s12;
	[sflag:s16] =	ssyncadd.s32 $0xFFFFE000  }
0x55: {  	[hbm4b:s26+s3] =	stream.linear.scatter [tilespmem:s18], [sflag:$0xB], $0x2000, $0x38;
	[tilespmem:$0x15900] =	vst v63  }
0x56: {  	s26 =	simm.s32 $0x2  }
0x57: {  	_ =	swait.ge [sflag:s26], $0x2000  }
0x58: {  	[sflag:s26] =	ssyncset.done $0x0  }
0x59: {  	[sflag:s26] =	ssyncadd.s32 $0xFFFFE000;
	s26 =	sadd.s32 $0xFFFFE000, s12  }
0x5a: {  	[hbm4b:s26+s3] =	stream.linear.scatter [tilespmem:s20], [sflag:$0xC], $0x2000, $0x38;
	[tilespmem:$0x15900] =	vst v63  }
0x5b: {  	_ =	swait.ge [sflag:s30], $0x2000  }
0x5c: {  	[sflag:s30] =	ssyncset.done $0x0  }
0x5d: {  	s16 =	sadd.s32 $0xFFFFE400, s12;
	s26 =	simm.s32 $0x5900;
	[sflag:s30] =	ssyncadd.s32 $0xFFFFE000  }
0x5e: {  	[hbm4b:s16+s3] =	stream.linear.scatter [tilespmem:s26], [sflag:$0xD], $0x2000, $0x38;
	[tilespmem:$0x15900] =	vst v63  }
0x5f: {  	_ =	swait.ge [sflag:s31], $0x2000  }
0x60: {  	[sflag:s31] =	ssyncset.done $0x0  }
0x61: {  	s26 =	sadd.s32 $0xFFFFE800, s12;
	[sflag:s31] =	ssyncadd.s32 $0xFFFFE000  }
0x62: {  	[hbm4b:s26+s3] =	stream.linear.scatter [tilespmem:s24], [sflag:$0xE], $0x2000, $0x38;
	[tilespmem:$0x15900] =	vst v63  }
0x63: {  	_ =	swait.ge [sflag:s2], $0x2000  }
0x64: {  	[sflag:s2] =	ssyncset.done $0x0  }
0x65: {  	s16 =	sadd.s32 $0xFFFFEC00, s12;
	s26 =	simm.s32 $0x9900;
	[sflag:s2] =	ssyncadd.s32 $0xFFFFE000  }
0x66: {  	[hbm4b:s16+s3] =	stream.linear.scatter [tilespmem:s26], [sflag:$0xF], $0x2000, $0x38;
	[tilespmem:$0x15900] =	vst v63  }
0x67: {  	_ =	swait.ge [sflag:s0], $0x2000  }
0x68: {  	[sflag:s0] =	ssyncset.done $0x0  }
0x69: {  	s26 =	sadd.s32 $0xFFFFF000, s12;
	[sflag:s0] =	ssyncadd.s32 $0xFFFFE000  }
0x6a: {  	[hbm4b:s26+s3] =	stream.linear.scatter [tilespmem:s28], [sflag:$0x10], $0x2000, $0x38;
	[tilespmem:$0x15900] =	vst v63  }
0x6b: {  	_ =	swait.ge [sflag:s11], $0x2000  }
0x6c: {  	[sflag:s11] =	ssyncset.done $0x0  }
0x6d: {  	s16 =	sadd.s32 $0xFFFFF400, s12;
	s26 =	simm.s32 $0xD900;
	[sflag:s11] =	ssyncadd.s32 $0xFFFFE000  }
0x6e: {  	[hbm4b:s16+s3] =	stream.linear.scatter [tilespmem:s26], [sflag:$0x11], $0x2000, $0x38;
	[tilespmem:$0x15900] =	vst v63  }
0x6f: {  	_ =	swait.ge [sflag:s13], $0x2000  }
0x70: {  	[sflag:s13] =	ssyncset.done $0x0  }
0x71: {  	s26 =	sadd.s32 $0xFFFFF800, s12;
	[sflag:s13] =	ssyncadd.s32 $0xFFFFE000  }
0x72: {  	[hbm4b:s26+s3] =	stream.linear.scatter [tilespmem:s29], [sflag:$0x12], $0x2000, $0x38;
	[tilespmem:$0x15900] =	vst v63  }
0x73: {  	_ =	swait.ge [sflag:s15], $0x2000  }
0x74: {  	[sflag:s15] =	ssyncset.done $0x0  }
0x75: {  	s26 =	sadd.s32 $0xFFFFFC00, s12;
	[sflag:s15] =	ssyncadd.s32 $0xFFFFE000  }
0x76: {  	[hbm4b:s26+s3] =	stream.linear.scatter [tilespmem:s22], [sflag:$0x13], $0x2000, $0x38;
	[tilespmem:$0x15900] =	vst v63  }
0x77: {  	_ =	swait.ge [sflag:s17], $0x2000  }
0x78: {  	p0 =	seq.s32 s14, $0x5A00;
	[sflag:s17] =	ssyncset.done $0x0  }
.Ltmp2:
0x79: {  	s26 =	simm.s32 $0x13900;
	[sflag:s17] =	ssyncadd.s32 $0xFFFFE000;
	(pc) =	sbr.rel @p0 .LBB2_4-.Ltmp2, $4  }
0x7a: {  	[hbm4b:s12+s3] =	stream.linear.scatter [tilespmem:s26], [sflag:$0x14], $0x2000, $0x38;
	[tilespmem:$0x15900] =	vst v63  }
0x7b: {  	_ =	swait.ge [sflag:s19], $0x2000  }
0x7c: {  	[sflag:s19] =	ssyncset.done $0x0  }
0x7d: {  	[sflag:s19] =	ssyncadd.s32 $0xFFFFE000  }
0x7e: {  	s16 =	sshra.s32 s14, $0x2  }
0x7f: {  	s20 =	simm.s32 $0x1900;
	s18 =	sadd.s32 $0x280, s16  }
0x80: {  	[tilespmem:s20], [sflag:$0x1] =	stream.indirect.gather [hbm4b:s1+s8], $0x80, s18, s8, $0xb8;
	[tilespmem:$0x15900] =	vst v63  }
0x81: {  	_ =	swait.ge [sflag:s21], $0x2000  }
0x82: {  	[sflag:s21] =	ssyncset.done $0x0  }
0x83: {  	s26 =	sadd.s32 $0x2C0, s16;
	s20 =	simm.s32 $0x3900;
	[sflag:s21] =	ssyncadd.s32 $0xFFFFE000  }
0x84: {  	[tilespmem:s20], [sflag:$0x2] =	stream.indirect.gather [hbm4b:s1+s8], $0x80, s26, s8, $0xb8;
	[tilespmem:$0x15900] =	vst v63  }
0x85: {  	_ =	swait.ge [sflag:s23], $0x2000  }
0x86: {  	[sflag:s23] =	ssyncset.done $0x0  }
0x87: {  	s18 =	sadd.s32 $0x300, s16;
	s26 =	simm.s32 $0x5900;
	[sflag:s23] =	ssyncadd.s32 $0xFFFFE000  }
0x88: {  	[tilespmem:s26], [sflag:$0x3] =	stream.indirect.gather [hbm4b:s1+s8], $0x80, s18, s8, $0xb8;
	[tilespmem:$0x15900] =	vst v63  }
0x89: {  	_ =	swait.ge [sflag:s25], $0x2000  }
0x8a: {  	[sflag:s25] =	ssyncset.done $0x0  }
0x8b: {  	s26 =	sadd.s32 $0x340, s16;
	[sflag:s25] =	ssyncadd.s32 $0xFFFFE000  }
0x8c: {  	[tilespmem:s24], [sflag:$0x4] =	stream.indirect.gather [hbm4b:s1+s8], $0x80, s26, s8, $0xb8;
	[tilespmem:$0x15900] =	vst v63  }
0x8d: {  	_ =	swait.ge [sflag:s4], $0x2000  }
0x8e: {  	[sflag:s4] =	ssyncset.done $0x0  }
0x8f: {  	s18 =	sadd.s32 $0x380, s16;
	s26 =	simm.s32 $0x9900;
	[sflag:s4] =	ssyncadd.s32 $0xFFFFE000  }
0x90: {  	[tilespmem:s26], [sflag:$0x5] =	stream.indirect.gather [hbm4b:s1+s8], $0x80, s18, s8, $0xb8;
	[tilespmem:$0x15900] =	vst v63  }
0x91: {  	_ =	swait.ge [sflag:s5], $0x2000  }
0x92: {  	[sflag:s5] =	ssyncset.done $0x0  }
0x93: {  	s26 =	sadd.s32 $0x3C0, s16;
	[sflag:s5] =	ssyncadd.s32 $0xFFFFE000  }
0x94: {  	[tilespmem:s28], [sflag:$0x6] =	stream.indirect.gather [hbm4b:s1+s8], $0x80, s26, s8, $0xb8;
	[tilespmem:$0x15900] =	vst v63  }
0x95: {  	_ =	swait.ge [sflag:s6], $0x2000  }
0x96: {  	[sflag:s6] =	ssyncset.done $0x0  }
0x97: {  	s18 =	sadd.s32 $0x400, s16;
	s26 =	simm.s32 $0xD900;
	[sflag:s6] =	ssyncadd.s32 $0xFFFFE000  }
0x98: {  	[tilespmem:s26], [sflag:$0x7] =	stream.indirect.gather [hbm4b:s1+s8], $0x80, s18, s8, $0xb8;
	[tilespmem:$0x15900] =	vst v63  }
0x99: {  	_ =	swait.ge [sflag:s7], $0x2000  }
0x9a: {  	[sflag:s7] =	ssyncset.done $0x0  }
0x9b: {  	s26 =	sadd.s32 $0x440, s16;
	[sflag:s7] =	ssyncadd.s32 $0xFFFFE000  }
0x9c: {  	[tilespmem:s29], [sflag:$0x8] =	stream.indirect.gather [hbm4b:s1+s8], $0x80, s26, s8, $0xb8;
	[tilespmem:$0x15900] =	vst v63  }
0x9d: {  	_ =	swait.ge [sflag:s9], $0x2000  }
0x9e: {  	[sflag:s9] =	ssyncset.done $0x0  }
0x9f: {  	s26 =	sadd.s32 $0x480, s16;
	[sflag:s9] =	ssyncadd.s32 $0xFFFFE000  }
0xa0: {  	[tilespmem:s22], [sflag:$0x9] =	stream.indirect.gather [hbm4b:s1+s8], $0x80, s26, s8, $0xb8;
	[tilespmem:$0x15900] =	vst v63  }
.Ltmp3:
0xa1: {  	_ = 	snop;
	(pc) =	sbr.rel .LBB2_2-.Ltmp3, $4  }
0xa2: {  	s14 =	sadd.s32 $0xA00, s14;
	_ =	swait.ge [sflag:s10], $0x2000  }
0xa3: {  	s12 =	sadd.s32 $0x2800, s12;
	s18 =	simm.s32 $0x1900;
	[sflag:s10] =	ssyncset.done $0x0  }
0xa4: {  	s16 =	sadd.s32 $0x4C0, s16;
	s26 =	simm.s32 $0x13900;
	[sflag:s10] =	ssyncadd.s32 $0xFFFFE000  }
0xa5: {  	[tilespmem:s26], [sflag:$0xA] =	stream.indirect.gather [hbm4b:s1+s8], $0x80, s16, s8, $0xb8;
	[tilespmem:$0x15900] =	vst v63  }
.LBB2_5:
0xa6: {  	_ =	sfence.sel $0x180000  }
0xa7: {  	[bflag:$0x0] =	sbarrier.arrive $0xFFFF  }
0xa8: {  	_ =	strace $0x90000047  }
0xa9: {  	s0 =	stileid.u32;
	[bflag:$0x2] =	sbarrier.arrive $0xFFFF  }
0xaa: {  	p0 =	sne.s32 s0, $0x0;
	s0 =	rddreg [dreg:$0x3]  }
0xab: {  	s0 =	sadd.s32 @!p0 $0x100000, s0  }
0xac: {  	[sflag:s0] =	ssyncadd.tile.s32 @!p0 $0x1;
	_ =	shalt  }
.Lfunc_end2:
_tile_overlayer_lowered:
.L_overlay_start_2:
0xad: {  	(tag) =	ssettag $0x2  }
0xae: {  	s0 =	rddreg [dreg:$0x0];
	s2 =	stileid.u32  }
0xaf: {  	s1 =	rddreg [dreg:$0x1];
	p0 =	sne.s32 s2, $0x0  }
0xb0: {  	s3 =	rddreg [dreg:$0x2];
	[bflag:$0x3] =	sbarrier.arrive $0xFFFF;
	s2 =	simm.s32 @!p0 $0x1C15  }
0xb1: {  	[timem:s3], [sflag:s2] =	dma.local @!p0 [hbm:s0], s1  }
0xb2: {  	s0 =	simm.s32 @!p0 $0x15  }
0xb3: {  	_ =	swait.ge @!p0 [sflag:s0], s1  }
0xb4: {  	s1 =	ssub.s32 @!p0 $0x0, s1;
	[sflag:s0] =	ssyncset.done @!p0 $0x0  }
0xb5: {  	[sflag:s0] =	ssyncadd.s32 @!p0 s1  }
0xb6: {  	[bflag:$0x3] =	sbarrier.arrive $0xFFFF  }
0xb7: {  	_ =	shalt  }

</sc_bundles>
